<compile_context>
chip_gen: v7x
topology: tpu7x:2x2x1
jax: 0.10.2.dev20260603
libtpu: 0.0.44.dev20260713+nightly
codegen_flags: <defaults>
</compile_context>

<pallas_src>
import functools

import jax
import jax.numpy as jnp
from jax import lax
from jax.experimental import pallas as pl
from jax.experimental.pallas import tpu as pltpu
from jax.experimental.pallas import tpu_sc as plsc

S = 5000
P = 4096
N = 50000
SBLK = 512
SPAD = 5120
NBLK = SPAD // SBLK
NROW = 392
NPAD_TOT = NROW * 128
NPAD = NPAD_TOT - N
KSEL = 2500
INT_MIN = -2147483648
INT_MAX = 2147483647


NW = 32
CHUNK = NPAD_TOT // NW
NV = CHUNK // 16


def _sc_axis_body(vx_hbm, vy_hbm, vz_hbm, sx_hbm, sy_hbm, sz_hbm, vb_hbm,
                  out_hbm, bvx, bvy, bvz, bsx, bsy, bsz, vbv, accv):
    wid = lax.axis_index("s") * 2 + lax.axis_index("c")
    base = wid * CHUNK
    pltpu.sync_copy(vx_hbm.at[pl.ds(base, CHUNK)], bvx)
    pltpu.sync_copy(vy_hbm.at[pl.ds(base, CHUNK)], bvy)
    pltpu.sync_copy(vz_hbm.at[pl.ds(base, CHUNK)], bvz)
    pltpu.sync_copy(sx_hbm.at[pl.ds(base, CHUNK)], bsx)
    pltpu.sync_copy(sy_hbm.at[pl.ds(base, CHUNK)], bsy)
    pltpu.sync_copy(sz_hbm.at[pl.ds(base, CHUNK)], bsz)
    pltpu.sync_copy(vb_hbm, vbv)
    v0v = vbv[pl.ds(0, 16)]
    v1v = vbv[pl.ds(16, 16)]
    v2v = vbv[pl.ds(32, 16)]

    def step(j, acc):
        s = pl.ds(j * 16, 16)
        dx = bvx[s] - bsx[s]
        dy = bvy[s] - bsy[s]
        dz = bvz[s] - bsz[s]
        d = dx * v0v + dy * v1v + dz * v2v
        return acc + d * d

    accv[...] = lax.fori_loop(0, NV, step, jnp.zeros((16,), jnp.float32))
    pltpu.sync_copy(accv, out_hbm.at[pl.ds(wid * 16, 16)])


_sc_axis = functools.partial(
    pl.kernel,
    mesh=plsc.VectorSubcoreMesh(core_axis_name="c", subcore_axis_name="s"),
    out_type=jax.ShapeDtypeStruct((NW * 16,), jnp.float32),
    scratch_types=[pltpu.VMEM((CHUNK,), jnp.float32)] * 6
    + [pltpu.VMEM((48,), jnp.float32), pltpu.VMEM((16,), jnp.float32)],
)(_sc_axis_body)


def _regs_compute(vx, vy, vz, sx, sy, sz, v0, v1, v2):
    dx = vx - sx
    dy = vy - sy
    dz = vz - sz
    d = dx * v0 + dy * v1 + dz * v2
    axis_reg = jnp.sum(d * d)

    ps = sx * v0 + sy * v1 + sz * v2
    b = lax.bitcast_convert_type(ps, jnp.int32)
    keys = jnp.where(b >= 0, b, jnp.int32(INT_MIN) - b)
    gi = (lax.broadcasted_iota(jnp.int32, (NROW, 128), 0) * 128
          + lax.broadcasted_iota(jnp.int32, (NROW, 128), 1))
    keys = jnp.where(gi < N, keys, jnp.int32(INT_MAX))
    keys2 = ~keys
    k_lo = jnp.int32(KSEL)
    k_hi = jnp.int32(KSEL + NPAD)

    def vstep(t, pq):
        p, q = pq
        shift = jnp.int32(1) << (31 - t)
        candp = p + shift
        candq = q + shift
        cp = jnp.sum(jnp.where(keys < candp, jnp.int32(1), jnp.int32(0)))
        cq = jnp.sum(jnp.where(keys2 < candq, jnp.int32(1), jnp.int32(0)))
        return (jnp.where(cp < k_lo, candp, p),
                jnp.where(cq < k_hi, candq, q))
    t_lo, t2 = lax.fori_loop(
        0, 32, vstep, (jnp.int32(INT_MIN), jnp.int32(INT_MIN)))

    n_lo = k_lo - jnp.sum(jnp.where(keys < t_lo, jnp.int32(1), jnp.int32(0)))
    n_hi = k_hi - jnp.sum(jnp.where(keys2 < t2, jnp.int32(1), jnp.int32(0)))
    ties_lo = keys == t_lo
    ties_hi = keys2 == t2
    rix = jnp.int32(NPAD_TOT - 1) - gi

    def istep(t, pq):
        p, q = pq
        shift = jnp.int32(1) << (16 - t)
        candp = p + shift
        candq = q + shift
        cp = jnp.sum(jnp.where(ties_lo & (gi < candp),
                               jnp.int32(1), jnp.int32(0)))
        cq = jnp.sum(jnp.where(ties_hi & (rix < candq),
                               jnp.int32(1), jnp.int32(0)))
        return (jnp.where(cp < n_lo, candp, p),
                jnp.where(cq < n_hi, candq, q))
    m_lo, m_hi = lax.fori_loop(0, 17, istep, (jnp.int32(0), jnp.int32(0)))

    mask_lo = (keys < t_lo) | (ties_lo & (gi <= m_lo))
    mask_hi = (keys2 < t2) | (ties_hi & (rix <= m_hi))

    d2v = dx * dx + dy * dy + dz * dz
    br = jnp.sum(d2v * (mask_lo.astype(jnp.float32)
                        + mask_hi.astype(jnp.float32)))
    return axis_reg, br


def _body(sp_ref, snm_ref, snm8_ref, ept_ref, anmt_ref, acat_ref, v_ref,
          vx_ref, vy_ref, vz_ref, sx_ref, sy_ref, sz_ref,
          out_ref, rmin, rpay, raug, acc):
    i = pl.program_id(0)
    v0 = v_ref[0, 0]
    v1 = v_ref[0, 1]
    v2 = v_ref[0, 2]

    e0 = ept_ref[0:1, :]
    e1 = ept_ref[1:2, :]
    e2 = ept_ref[2:3, :]
    c0 = jnp.mean(e0)
    c1 = jnp.mean(e1)
    c2 = jnp.mean(e2)
    p2 = (e0 - c0) * v0 + (e1 - c1) * v1 + (e2 - c2) * v2
    mn = jnp.min(p2)
    mx = jnp.max(p2)

    @pl.when(i == 0)
    def _():
        en = e0 * e0 + e1 * e1 + e2 * e2
        raug[...] = jnp.concatenate(
            [-2.0 * e0, -2.0 * e1, -2.0 * e2,
             jnp.ones((1, P), jnp.float32), en,
             jnp.ones((1, P), jnp.float32),
             jnp.zeros((2, P), jnp.float32)], axis=0)
        axis_reg, br = _regs_compute(
            vx_ref[...], vy_ref[...], vz_ref[...],
            sx_ref[...], sy_ref[...], sz_ref[...], v0, v1, v2)
        out_ref[0, 2] = axis_reg
        out_ref[0, 3] = br

    x0 = sp_ref[:, 0:1]
    x1 = sp_ref[:, 1:2]
    x2 = sp_ref[:, 2:3]
    proj1 = (x0 - c0) * v0 + (x1 - c1) * v1 + (x2 - c2) * v2
    rows = i * SBLK + lax.broadcasted_iota(jnp.int32, (SBLK, 1), 0)
    valid = rows < S
    maskf = ((proj1 >= mn) & (proj1 <= mx) & valid).astype(jnp.float32)
    pen = (1.0 - maskf) * 1e10 + jnp.where(valid, 0.0, 1e20)

    sn = x0 * x0 + x1 * x1 + x2 * x2
    lhs = jnp.concatenate(
        [x0, x1, x2, sn, jnp.ones((SBLK, 1), jnp.float32), pen,
         jnp.zeros((SBLK, 2), jnp.float32)], axis=1)
    dm = jnp.maximum(
        jnp.dot(lhs, raug[...], preferred_element_type=jnp.float32), 0.0)

    minx = jnp.min(dm, axis=1, keepdims=True)
    ohr = (dm == minx).astype(jnp.float32)
    g = jnp.dot(ohr, acat_ref[...], preferred_element_type=jnp.float32)
    g0 = g[:, 0:1]
    g1 = g[:, 1:2]
    g2 = g[:, 2:3]
    n0 = snm_ref[:, 0:1]
    n1 = snm_ref[:, 1:2]
    n2 = snm_ref[:, 2:3]
    sn2 = n0 * n0 + n1 * n1 + n2 * n2
    an2_sel = g0 * g0 + g1 * g1 + g2 * g2
    ndot_r = n0 * g0 + n1 * g1 + n2 * g2
    cosxy = ndot_r / (jnp.sqrt(sn2) * jnp.sqrt(an2_sel) + 1e-8)

    s_lossx = jnp.sum(minx * maskf)
    s_denom = jnp.sum(maskf)
    s_lnx = jnp.sum((1.0 - jnp.abs(cosxy)) * maskf)

    @pl.when(i == 0)
    def _():
        acc[0] = s_lossx
        acc[1] = s_denom
        acc[2] = s_lnx

    @pl.when(i > 0)
    def _():
        acc[0] = acc[0] + s_lossx
        acc[1] = acc[1] + s_denom
        acc[2] = acc[2] + s_lnx

    m0 = jnp.min(dm, axis=0, keepdims=True)
    rmin_old = jnp.where(i == 0, jnp.float32(3e38), rmin[...])
    better = m0 < rmin_old
    rmin[...] = jnp.where(better, m0, rmin_old)
    ohcT = jnp.where((dm == m0) & better, 1.0, 0.0)
    gc = jnp.dot(snm8_ref[...], ohcT, preferred_element_type=jnp.float32)
    rpay[...] = jnp.where(better, gc, rpay[...])

    @pl.when(i == NBLK - 1)
    def _():
        lossy = jnp.sum(rmin[...]) / P
        a0 = anmt_ref[0:1, :]
        a1 = anmt_ref[1:2, :]
        a2 = anmt_ref[2:3, :]
        an2 = a0 * a0 + a1 * a1 + a2 * a2
        pay = rpay[...]
        p0 = pay[0:1, :]
        p1 = pay[1:2, :]
        p2s = pay[2:3, :]
        sn2_sel = p0 * p0 + p1 * p1 + p2s * p2s
        ndot_c = a0 * p0 + a1 * p1 + a2 * p2s
        cosyx = ndot_c / (jnp.sqrt(an2) * jnp.sqrt(sn2_sel) + 1e-8)
        lny = jnp.sum(1.0 - jnp.abs(cosyx)) / P
        denom = jnp.maximum(acc[1], 1.0)
        out_ref[0, 0] = acc[0] / denom + lossy
        out_ref[0, 1] = acc[2] / denom + lny


def _pad_rows(x, n):
    return jnp.concatenate(
        [x, jnp.zeros((n - x.shape[0], x.shape[1]), x.dtype)], axis=0)


@jax.jit
def kernel(sample_pcd, sample_norm, echo_pcd, aligned_pcd_norm, pcd_vector,
           verts, static_verts):
    sp = _pad_rows(sample_pcd, SPAD)
    snm = _pad_rows(sample_norm, SPAD)
    snm8 = _pad_rows(snm.T, 8)
    ept = echo_pcd.T
    anmt = aligned_pcd_norm.T
    acat = jnp.concatenate(
        [aligned_pcd_norm, jnp.zeros((P, 5), jnp.float32)], axis=1)
    vt = jnp.concatenate(
        [verts.T, jnp.zeros((3, NPAD_TOT - N), verts.dtype)], axis=1)
    st = jnp.concatenate(
        [static_verts.T, jnp.zeros((3, NPAD_TOT - N), verts.dtype)], axis=1)
    vr = vt.reshape(3, NROW, 128)
    sr = st.reshape(3, NROW, 128)

    vb = jnp.repeat(pcd_vector[0], 16)
    scax = _sc_axis(vt[0], vt[1], vt[2], st[0], st[1], st[2], vb)

    full = lambda i: (0, 0)
    out = pl.pallas_call(
        _body,
        grid=(NBLK,),
        in_specs=[
            pl.BlockSpec((SBLK, 3), lambda i: (i, 0)),
            pl.BlockSpec((SBLK, 3), lambda i: (i, 0)),
            pl.BlockSpec((8, SBLK), lambda i: (0, i)),
            pl.BlockSpec((3, P), full),
            pl.BlockSpec((3, P), full),
            pl.BlockSpec((P, 8), full),
            pl.BlockSpec(memory_space=pltpu.SMEM),
            pl.BlockSpec((NROW, 128), full),
            pl.BlockSpec((NROW, 128), full),
            pl.BlockSpec((NROW, 128), full),
            pl.BlockSpec((NROW, 128), full),
            pl.BlockSpec((NROW, 128), full),
            pl.BlockSpec((NROW, 128), full),
        ],
        out_specs=pl.BlockSpec(memory_space=pltpu.SMEM),
        out_shape=jax.ShapeDtypeStruct((1, 4), jnp.float32),
        scratch_shapes=[
            pltpu.VMEM((1, P), jnp.float32),
            pltpu.VMEM((8, P), jnp.float32),
            pltpu.VMEM((8, P), jnp.float32),
            pltpu.SMEM((8,), jnp.float32),
        ],
        compiler_params=pltpu.CompilerParams(
            dimension_semantics=("arbitrary",)),
    )(sp, snm, snm8, ept, anmt, acat, pcd_vector,
      vr[0], vr[1], vr[2], sr[0], sr[1], sr[2])

    return jnp.stack([out[0, 0], out[0, 1], jnp.sum(scax), out[0, 3]])

# --- scband reference (transcript-rebuilt; emitter-appended) ---
"""Pipeline reference for scband-mesh-loss-49581102465728 (READ-ONLY COPY).

The authoritative reference and input builder live on the scoring server;
editing this copy changes nothing except your own understanding.
"""

import jax, jax.numpy as jnp
import numpy as np


def _cos(a, b, eps=1e-8):
    return jnp.sum(a * b, axis=-1) / (
        jnp.linalg.norm(a, axis=-1) * jnp.linalg.norm(b, axis=-1) + eps
    )


def setup_inputs(seed: int = 0) -> dict:
    key = jax.random.key(seed)
    ks = jax.random.split(key, 7)
    S, P, N = 5000, 4096, 50000
    return {
        "sample_pcd": jax.random.normal(ks[0], (S, 3), dtype=jnp.float32),
        "sample_norm": jax.random.normal(ks[1], (S, 3), dtype=jnp.float32),
        "echo_pcd": jax.random.normal(ks[2], (P, 3), dtype=jnp.float32),
        "aligned_pcd_norm": jax.random.normal(ks[3], (P, 3), dtype=jnp.float32),
        "pcd_vector": jax.random.normal(ks[4], (1, 3), dtype=jnp.float32),
        "verts": jax.random.normal(ks[5], (N, 3), dtype=jnp.float32),
        "static_verts": jax.random.normal(ks[6], (N, 3), dtype=jnp.float32),
    }


def reference(sample_pcd, sample_norm, echo_pcd, aligned_pcd_norm, pcd_vector, verts, static_verts):
    v = pcd_vector[0, :].reshape(1, 3)

    # ---- point_filter: keep sampled points whose projection lies inside echo pcd range ----
    center = jnp.mean(echo_pcd, axis=0, keepdims=True)
    proj1 = (sample_pcd - center) @ v.T  # [S, 1]
    proj2 = (echo_pcd - center) @ v.T    # [P, 1]
    mx = jnp.max(proj2)
    mn = jnp.min(proj2)
    mask = jax.lax.stop_gradient(
        ((proj1[:, 0] >= mn) & (proj1[:, 0] <= mx)).astype(jnp.float32)
    )  # [S]
    denom = jnp.maximum(jnp.sum(mask), 1.0)

    # ---- chamfer_distance (x=filtered samples, y=echo pcd), mean point reduction ----
    sn = jnp.sum(sample_pcd ** 2, axis=-1)  # [S]
    en = jnp.sum(echo_pcd ** 2, axis=-1)    # [P]
    d2 = jnp.maximum(sn[:, None] + en[None, :] - 2.0 * (sample_pcd @ echo_pcd.T), 0.0)  # [S, P]

    min_xy = jnp.min(d2, axis=1)
    idx_xy = jnp.argmin(d2, axis=1)
    loss_x = jnp.sum(min_xy * mask) / denom

    d2m = d2 + (1.0 - mask)[:, None] * 1e10  # exclude filtered-out sample points
    min_yx = jnp.min(d2m, axis=0)
    idx_yx = jnp.argmin(d2m, axis=0)
    loss_y = jnp.mean(min_yx)
    loss_p0 = loss_x + loss_y

    # normal consistency term of chamfer_distance
    cos_xy = _cos(sample_norm, aligned_pcd_norm[idx_xy])
    ln_x = jnp.sum((1.0 - jnp.abs(cos_xy)) * mask) / denom
    cos_yx = _cos(aligned_pcd_norm, sample_norm[idx_yx])
    ln_y = jnp.mean(1.0 - jnp.abs(cos_yx))
    loss_n1 = ln_x + ln_y

    # ---- axis_regularization: MSE(sum) between projections of static vs warped verts ----
    proj_static = static_verts @ v.T  # [N, 1]
    proj_warped = verts @ v.T         # [N, 1]
    axis_reg_loss = jnp.sum((proj_warped - proj_static) ** 2)

    # ---- boundary_regularization: 5% extreme verts along axis, MSE(sum) ----
    proj_s = (static_verts @ v.T).reshape(-1)  # [N]
    num_nodes_br = int(proj_s.size * 0.05)
    order = jnp.argsort(proj_s)
    inds = jnp.concatenate([order[:num_nodes_br], order[-num_nodes_br:]])
    bound_reg_loss = jnp.sum((static_verts[inds] - verts[inds]) ** 2)

    return jnp.stack([loss_p0, loss_n1, axis_reg_loss, bound_reg_loss])

if __name__ == "__main__":
    import jax
    _d = setup_inputs()
    print(jax.jit(kernel)(*tuple(_d.values())))

</pallas_src>

<mosaic_0001>
#map = affine_map<(d0, d1) -> (0)>
module attributes {stable_mosaic.version = 14 : i64} {
  func.func @_sc_axis_body(%arg0: i32, %arg1: i32, %arg2: memref<50176xf32, #tpu.memory_space<hbm>>, %arg3: memref<50176xf32, #tpu.memory_space<hbm>>, %arg4: memref<50176xf32, #tpu.memory_space<hbm>>, %arg5: memref<50176xf32, #tpu.memory_space<hbm>>, %arg6: memref<50176xf32, #tpu.memory_space<hbm>>, %arg7: memref<50176xf32, #tpu.memory_space<hbm>>, %arg8: memref<48xf32, #tpu.memory_space<hbm>>, %arg9: memref<512xf32, #tpu.memory_space<hbm>>, %arg10: memref<1568xf32, #tpu.memory_space<vmem>>, %arg11: memref<1568xf32, #tpu.memory_space<vmem>>, %arg12: memref<1568xf32, #tpu.memory_space<vmem>>, %arg13: memref<1568xf32, #tpu.memory_space<vmem>>, %arg14: memref<1568xf32, #tpu.memory_space<vmem>>, %arg15: memref<1568xf32, #tpu.memory_space<vmem>>, %arg16: memref<48xf32, #tpu.memory_space<vmem>>, %arg17: memref<16xf32, #tpu.memory_space<vmem>>) attributes {dimension_semantics = [#tpu.dimension_semantics<core_parallel>, #tpu.dimension_semantics<subcore_parallel>], iteration_bounds = array<i64: 2, 16>, scalar_prefetch = 0 : i64, scratch_operands = 8 : i64, tpu.core_type = #tpu.core_type<sc_vector_subcore>, window_params = [{transform_indices = #map}, {transform_indices = #map}, {transform_indices = #map}, {transform_indices = #map}, {transform_indices = #map}, {transform_indices = #map}, {transform_indices = #map}, {transform_indices = #map}]} {
    %mul3A = arith.constant 2 : i32
    %mul3A_0 = arith.muli %arg1, %mul3A : i32
    %add3A = arith.addi %mul3A_0, %arg0 : i32
    %mul3A_1 = arith.constant 1568 : i32
    %mul3A_2 = arith.muli %add3A, %mul3A_1 : i32
    "tpu.region"() ({
      %run_scoped3A = tpu.sem_alloc : memref<!tpu.dma_semaphore, #tpu.memory_space<semaphore_mem>>
      %dma_start3A = tpu.memref_slice %arg2[%mul3A_2] : memref<50176xf32, #tpu.memory_space<hbm>> -> memref<1568xf32, #tpu.memory_space<hbm>>
      %dma_start3A_22 = tpu.memref_slice %arg2[%mul3A_2] : memref<50176xf32, #tpu.memory_space<hbm>> -> memref<1568xf32, #tpu.memory_space<hbm>>
      tpu.enqueue_dma source(%dma_start3A_22 : memref<1568xf32, #tpu.memory_space<hbm>>) target(%arg10 : memref<1568xf32, #tpu.memory_space<vmem>>) target_semaphore(%run_scoped3A : memref<!tpu.dma_semaphore, #tpu.memory_space<semaphore_mem>>)
      %dma_wait3A = tpu.memref_slice %arg2[%mul3A_2] : memref<50176xf32, #tpu.memory_space<hbm>> -> memref<1568xf32, #tpu.memory_space<hbm>>
      %dma_wait3A_23 = tpu.memref_slice %arg2[%mul3A_2] : memref<50176xf32, #tpu.memory_space<hbm>> -> memref<1568xf32, #tpu.memory_space<hbm>>
      tpu.wait_dma2 semaphore(%run_scoped3A : memref<!tpu.dma_semaphore, #tpu.memory_space<semaphore_mem>>) src(%dma_wait3A_23 : memref<1568xf32, #tpu.memory_space<hbm>>) dst(%arg10 : memref<1568xf32, #tpu.memory_space<vmem>>)
      tpu.yield
    }) : () -> ()
    "tpu.region"() ({
      %run_scoped3A = tpu.sem_alloc : memref<!tpu.dma_semaphore, #tpu.memory_space<semaphore_mem>>
      %dma_start3A = tpu.memref_slice %arg3[%mul3A_2] : memref<50176xf32, #tpu.memory_space<hbm>> -> memref<1568xf32, #tpu.memory_space<hbm>>
      %dma_start3A_22 = tpu.memref_slice %arg3[%mul3A_2] : memref<50176xf32, #tpu.memory_space<hbm>> -> memref<1568xf32, #tpu.memory_space<hbm>>
      tpu.enqueue_dma source(%dma_start3A_22 : memref<1568xf32, #tpu.memory_space<hbm>>) target(%arg11 : memref<1568xf32, #tpu.memory_space<vmem>>) target_semaphore(%run_scoped3A : memref<!tpu.dma_semaphore, #tpu.memory_space<semaphore_mem>>)
      %dma_wait3A = tpu.memref_slice %arg3[%mul3A_2] : memref<50176xf32, #tpu.memory_space<hbm>> -> memref<1568xf32, #tpu.memory_space<hbm>>
      %dma_wait3A_23 = tpu.memref_slice %arg3[%mul3A_2] : memref<50176xf32, #tpu.memory_space<hbm>> -> memref<1568xf32, #tpu.memory_space<hbm>>
      tpu.wait_dma2 semaphore(%run_scoped3A : memref<!tpu.dma_semaphore, #tpu.memory_space<semaphore_mem>>) src(%dma_wait3A_23 : memref<1568xf32, #tpu.memory_space<hbm>>) dst(%arg11 : memref<1568xf32, #tpu.memory_space<vmem>>)
      tpu.yield
    }) : () -> ()
    "tpu.region"() ({
      %run_scoped3A = tpu.sem_alloc : memref<!tpu.dma_semaphore, #tpu.memory_space<semaphore_mem>>
      %dma_start3A = tpu.memref_slice %arg4[%mul3A_2] : memref<50176xf32, #tpu.memory_space<hbm>> -> memref<1568xf32, #tpu.memory_space<hbm>>
      %dma_start3A_22 = tpu.memref_slice %arg4[%mul3A_2] : memref<50176xf32, #tpu.memory_space<hbm>> -> memref<1568xf32, #tpu.memory_space<hbm>>
      tpu.enqueue_dma source(%dma_start3A_22 : memref<1568xf32, #tpu.memory_space<hbm>>) target(%arg12 : memref<1568xf32, #tpu.memory_space<vmem>>) target_semaphore(%run_scoped3A : memref<!tpu.dma_semaphore, #tpu.memory_space<semaphore_mem>>)
      %dma_wait3A = tpu.memref_slice %arg4[%mul3A_2] : memref<50176xf32, #tpu.memory_space<hbm>> -> memref<1568xf32, #tpu.memory_space<hbm>>
      %dma_wait3A_23 = tpu.memref_slice %arg4[%mul3A_2] : memref<50176xf32, #tpu.memory_space<hbm>> -> memref<1568xf32, #tpu.memory_space<hbm>>
      tpu.wait_dma2 semaphore(%run_scoped3A : memref<!tpu.dma_semaphore, #tpu.memory_space<semaphore_mem>>) src(%dma_wait3A_23 : memref<1568xf32, #tpu.memory_space<hbm>>) dst(%arg12 : memref<1568xf32, #tpu.memory_space<vmem>>)
      tpu.yield
    }) : () -> ()
    "tpu.region"() ({
      %run_scoped3A = tpu.sem_alloc : memref<!tpu.dma_semaphore, #tpu.memory_space<semaphore_mem>>
      %dma_start3A = tpu.memref_slice %arg5[%mul3A_2] : memref<50176xf32, #tpu.memory_space<hbm>> -> memref<1568xf32, #tpu.memory_space<hbm>>
      %dma_start3A_22 = tpu.memref_slice %arg5[%mul3A_2] : memref<50176xf32, #tpu.memory_space<hbm>> -> memref<1568xf32, #tpu.memory_space<hbm>>
      tpu.enqueue_dma source(%dma_start3A_22 : memref<1568xf32, #tpu.memory_space<hbm>>) target(%arg13 : memref<1568xf32, #tpu.memory_space<vmem>>) target_semaphore(%run_scoped3A : memref<!tpu.dma_semaphore, #tpu.memory_space<semaphore_mem>>)
      %dma_wait3A = tpu.memref_slice %arg5[%mul3A_2] : memref<50176xf32, #tpu.memory_space<hbm>> -> memref<1568xf32, #tpu.memory_space<hbm>>
      %dma_wait3A_23 = tpu.memref_slice %arg5[%mul3A_2] : memref<50176xf32, #tpu.memory_space<hbm>> -> memref<1568xf32, #tpu.memory_space<hbm>>
      tpu.wait_dma2 semaphore(%run_scoped3A : memref<!tpu.dma_semaphore, #tpu.memory_space<semaphore_mem>>) src(%dma_wait3A_23 : memref<1568xf32, #tpu.memory_space<hbm>>) dst(%arg13 : memref<1568xf32, #tpu.memory_space<vmem>>)
      tpu.yield
    }) : () -> ()
    "tpu.region"() ({
      %run_scoped3A = tpu.sem_alloc : memref<!tpu.dma_semaphore, #tpu.memory_space<semaphore_mem>>
      %dma_start3A = tpu.memref_slice %arg6[%mul3A_2] : memref<50176xf32, #tpu.memory_space<hbm>> -> memref<1568xf32, #tpu.memory_space<hbm>>
      %dma_start3A_22 = tpu.memref_slice %arg6[%mul3A_2] : memref<50176xf32, #tpu.memory_space<hbm>> -> memref<1568xf32, #tpu.memory_space<hbm>>
      tpu.enqueue_dma source(%dma_start3A_22 : memref<1568xf32, #tpu.memory_space<hbm>>) target(%arg14 : memref<1568xf32, #tpu.memory_space<vmem>>) target_semaphore(%run_scoped3A : memref<!tpu.dma_semaphore, #tpu.memory_space<semaphore_mem>>)
      %dma_wait3A = tpu.memref_slice %arg6[%mul3A_2] : memref<50176xf32, #tpu.memory_space<hbm>> -> memref<1568xf32, #tpu.memory_space<hbm>>
      %dma_wait3A_23 = tpu.memref_slice %arg6[%mul3A_2] : memref<50176xf32, #tpu.memory_space<hbm>> -> memref<1568xf32, #tpu.memory_space<hbm>>
      tpu.wait_dma2 semaphore(%run_scoped3A : memref<!tpu.dma_semaphore, #tpu.memory_space<semaphore_mem>>) src(%dma_wait3A_23 : memref<1568xf32, #tpu.memory_space<hbm>>) dst(%arg14 : memref<1568xf32, #tpu.memory_space<vmem>>)
      tpu.yield
    }) : () -> ()
    "tpu.region"() ({
      %run_scoped3A = tpu.sem_alloc : memref<!tpu.dma_semaphore, #tpu.memory_space<semaphore_mem>>
      %dma_start3A = tpu.memref_slice %arg7[%mul3A_2] : memref<50176xf32, #tpu.memory_space<hbm>> -> memref<1568xf32, #tpu.memory_space<hbm>>
      %dma_start3A_22 = tpu.memref_slice %arg7[%mul3A_2] : memref<50176xf32, #tpu.memory_space<hbm>> -> memref<1568xf32, #tpu.memory_space<hbm>>
      tpu.enqueue_dma source(%dma_start3A_22 : memref<1568xf32, #tpu.memory_space<hbm>>) target(%arg15 : memref<1568xf32, #tpu.memory_space<vmem>>) target_semaphore(%run_scoped3A : memref<!tpu.dma_semaphore, #tpu.memory_space<semaphore_mem>>)
      %dma_wait3A = tpu.memref_slice %arg7[%mul3A_2] : memref<50176xf32, #tpu.memory_space<hbm>> -> memref<1568xf32, #tpu.memory_space<hbm>>
      %dma_wait3A_23 = tpu.memref_slice %arg7[%mul3A_2] : memref<50176xf32, #tpu.memory_space<hbm>> -> memref<1568xf32, #tpu.memory_space<hbm>>
      tpu.wait_dma2 semaphore(%run_scoped3A : memref<!tpu.dma_semaphore, #tpu.memory_space<semaphore_mem>>) src(%dma_wait3A_23 : memref<1568xf32, #tpu.memory_space<hbm>>) dst(%arg15 : memref<1568xf32, #tpu.memory_space<vmem>>)
      tpu.yield
    }) : () -> ()
    "tpu.region"() ({
      %run_scoped3A = tpu.sem_alloc : memref<!tpu.dma_semaphore, #tpu.memory_space<semaphore_mem>>
      tpu.enqueue_dma source(%arg8 : memref<48xf32, #tpu.memory_space<hbm>>) target(%arg16 : memref<48xf32, #tpu.memory_space<vmem>>) target_semaphore(%run_scoped3A : memref<!tpu.dma_semaphore, #tpu.memory_space<semaphore_mem>>)
      tpu.wait_dma2 semaphore(%run_scoped3A : memref<!tpu.dma_semaphore, #tpu.memory_space<semaphore_mem>>) src(%arg8 : memref<48xf32, #tpu.memory_space<hbm>>) dst(%arg16 : memref<48xf32, #tpu.memory_space<vmem>>)
      tpu.yield
    }) : () -> ()
    %get3A = arith.constant 0 : index
    %get3A_3 = tpu.vector_load %arg16[%get3A] {strides = array<i32>} : memref<48xf32, #tpu.memory_space<vmem>>, vector<16xf32>,
    %get3A_4 = vector.shape_cast %get3A_3 : vector<16xf32> to vector<16xf32>
    %get3A_5 = arith.constant 16 : index
    %get3A_6 = tpu.vector_load %arg16[%get3A_5] {strides = array<i32>} : memref<48xf32, #tpu.memory_space<vmem>>, vector<16xf32>,
    %get3A_7 = vector.shape_cast %get3A_6 : vector<16xf32> to vector<16xf32>
    %get3A_8 = arith.constant 32 : index
    %get3A_9 = tpu.vector_load %arg16[%get3A_8] {strides = array<i32>} : memref<48xf32, #tpu.memory_space<vmem>>, vector<16xf32>,
    %get3A_10 = vector.shape_cast %get3A_9 : vector<16xf32> to vector<16xf32>
    %broadcast_in_dim3A = arith.constant 0.000000e+00 : f32
    %broadcast_in_dim3A_11 = vector.broadcast %broadcast_in_dim3A : f32 to vector<16xf32>
    %scan3A = arith.constant 0 : i32
    %scan3A_12 = arith.constant 98 : i32
    %scan3A_13 = arith.addi %scan3A, %scan3A_12 : i32
    %scan3A_14 = arith.constant 1 : i32
    %scan3A_15 = scf.for %scan3A_22 = %scan3A to %scan3A_13 step %scan3A_14 iter_args(%scan3A_23 = %broadcast_in_dim3A_11) -> (vector<16xf32>)  : i32 {
      %mul3A_24 = arith.constant 16 : i32
      %mul3A_25 = arith.muli %scan3A_22, %mul3A_24 : i32
      %get3A_26 = arith.index_cast %mul3A_25 : i32 to index
      %get3A_27 = tpu.vector_load %arg10[%get3A_26] {strides = array<i32>} : memref<1568xf32, #tpu.memory_space<vmem>>, vector<16xf32>,
      %get3A_28 = vector.shape_cast %get3A_27 : vector<16xf32> to vector<16xf32>
      %get3A_29 = arith.index_cast %mul3A_25 : i32 to index
      %get3A_30 = tpu.vector_load %arg13[%get3A_29] {strides = array<i32>} : memref<1568xf32, #tpu.memory_space<vmem>>, vector<16xf32>,
      %get3A_31 = vector.shape_cast %get3A_30 : vector<16xf32> to vector<16xf32>
      %sub3A = arith.subf %get3A_28, %get3A_31 : vector<16xf32>
      %get3A_32 = arith.index_cast %mul3A_25 : i32 to index
      %get3A_33 = tpu.vector_load %arg11[%get3A_32] {strides = array<i32>} : memref<1568xf32, #tpu.memory_space<vmem>>, vector<16xf32>,
      %get3A_34 = vector.shape_cast %get3A_33 : vector<16xf32> to vector<16xf32>
      %get3A_35 = arith.index_cast %mul3A_25 : i32 to index
      %get3A_36 = tpu.vector_load %arg14[%get3A_35] {strides = array<i32>} : memref<1568xf32, #tpu.memory_space<vmem>>, vector<16xf32>,
      %get3A_37 = vector.shape_cast %get3A_36 : vector<16xf32> to vector<16xf32>
      %sub3A_38 = arith.subf %get3A_34, %get3A_37 : vector<16xf32>
      %get3A_39 = arith.index_cast %mul3A_25 : i32 to index
      %get3A_40 = tpu.vector_load %arg12[%get3A_39] {strides = array<i32>} : memref<1568xf32, #tpu.memory_space<vmem>>, vector<16xf32>,
      %get3A_41 = vector.shape_cast %get3A_40 : vector<16xf32> to vector<16xf32>
      %get3A_42 = arith.index_cast %mul3A_25 : i32 to index
      %get3A_43 = tpu.vector_load %arg15[%get3A_42] {strides = array<i32>} : memref<1568xf32, #tpu.memory_space<vmem>>, vector<16xf32>,
      %get3A_44 = vector.shape_cast %get3A_43 : vector<16xf32> to vector<16xf32>
      %sub3A_45 = arith.subf %get3A_41, %get3A_44 : vector<16xf32>
      %mul3A_46 = arith.mulf %sub3A, %get3A_4 : vector<16xf32>
      %mul3A_47 = arith.mulf %sub3A_38, %get3A_7 : vector<16xf32>
      %add3A_48 = arith.addf %mul3A_46, %mul3A_47 : vector<16xf32>
      %mul3A_49 = arith.mulf %sub3A_45, %get3A_10 : vector<16xf32>
      %add3A_50 = arith.addf %add3A_48, %mul3A_49 : vector<16xf32>
      %mul3A_51 = arith.mulf %add3A_50, %add3A_50 : vector<16xf32>
      %add3A_52 = arith.addf %scan3A_23, %mul3A_51 : vector<16xf32>
      scf.yield %add3A_52 : vector<16xf32>
    }
    %scan3A_16 = arith.constant 98 : i32
    %swap3A = arith.constant 0 : index
    %swap3A_17 = tpu.vector_load %arg17[%swap3A] {strides = array<i32>} : memref<16xf32, #tpu.memory_space<vmem>>, vector<16xf32>,
    %swap3A_18 = vector.shape_cast %swap3A_17 : vector<16xf32> to vector<16xf32>
    %swap3A_19 = vector.shape_cast %scan3A_15 : vector<16xf32> to vector<16xf32>
    tpu.vector_store %arg17[%swap3A], %swap3A_19 {strides = array<i32>} : memref<16xf32, #tpu.memory_space<vmem>>, vector<16xf32>,
    %mul3A_20 = arith.constant 16 : i32
    %mul3A_21 = arith.muli %add3A, %mul3A_20 : i32
    "tpu.region"() ({
      %run_scoped3A = tpu.sem_alloc : memref<!tpu.dma_semaphore, #tpu.memory_space<semaphore_mem>>
      %dma_start3A = tpu.memref_slice %arg9[%mul3A_21] : memref<512xf32, #tpu.memory_space<hbm>> -> memref<16xf32, #tpu.memory_space<hbm>>
      %dma_start3A_22 = tpu.memref_slice %arg9[%mul3A_21] : memref<512xf32, #tpu.memory_space<hbm>> -> memref<16xf32, #tpu.memory_space<hbm>>
      tpu.enqueue_dma source(%arg17 : memref<16xf32, #tpu.memory_space<vmem>>) target(%dma_start3A_22 : memref<16xf32, #tpu.memory_space<hbm>>) target_semaphore(%run_scoped3A : memref<!tpu.dma_semaphore, #tpu.memory_space<semaphore_mem>>)
      %dma_wait3A = tpu.memref_slice %arg9[%mul3A_21] : memref<512xf32, #tpu.memory_space<hbm>> -> memref<16xf32, #tpu.memory_space<hbm>>
      %dma_wait3A_23 = tpu.memref_slice %arg9[%mul3A_21] : memref<512xf32, #tpu.memory_space<hbm>> -> memref<16xf32, #tpu.memory_space<hbm>>
      tpu.wait_dma2 semaphore(%run_scoped3A : memref<!tpu.dma_semaphore, #tpu.memory_space<semaphore_mem>>) src(%arg17 : memref<16xf32, #tpu.memory_space<vmem>>) dst(%dma_wait3A_23 : memref<16xf32, #tpu.memory_space<hbm>>)
      tpu.yield
    }) : () -> ()
    return
  }
}

module attributes {stable_mosaic.version = 14 : i64} {
  func.func @_body(%arg0: i32, %arg1: memref<512x3xf32, #tpu.memory_space<vmem>>, %arg2: memref<512x3xf32, #tpu.memory_space<vmem>>, %arg3: memref<8x512xf32, #tpu.memory_space<vmem>>, %arg4: memref<3x4096xf32, #tpu.memory_space<vmem>>, %arg5: memref<3x4096xf32, #tpu.memory_space<vmem>>, %arg6: memref<4096x8xf32, #tpu.memory_space<vmem>>, %arg7: memref<1x3xf32, #tpu.memory_space<smem>>, %arg8: memref<392x128xf32, #tpu.memory_space<vmem>>, %arg9: memref<392x128xf32, #tpu.memory_space<vmem>>, %arg10: memref<392x128xf32, #tpu.memory_space<vmem>>, %arg11: memref<392x128xf32, #tpu.memory_space<vmem>>, %arg12: memref<392x128xf32, #tpu.memory_space<vmem>>, %arg13: memref<392x128xf32, #tpu.memory_space<vmem>>, %arg14: memref<1x4xf32, #tpu.memory_space<smem>>, %arg15: memref<1x4096xf32, #tpu.memory_space<vmem>>, %arg16: memref<8x4096xf32, #tpu.memory_space<vmem>>, %arg17: memref<8x4096xf32, #tpu.memory_space<vmem>>, %arg18: memref<8xf32, #tpu.memory_space<smem>>) attributes {dimension_semantics = [#tpu.dimension_semantics<arbitrary>], iteration_bounds = array<i64: 10>, scalar_prefetch = 0 : i64, scratch_operands = 4 : i64, tpu.core_type = #tpu.core_type<tc>, window_params = [{transform_indices = @transform_0, window_bounds = array<i64: 512, 3>}, {transform_indices = @transform_1, window_bounds = array<i64: 512, 3>}, {transform_indices = @transform_2, window_bounds = array<i64: 8, 512>}, {pipeline_mode = #tpu.pipeline_mode<synchronous>, transform_indices = @transform_3, window_bounds = array<i64: 3, 4096>}, {pipeline_mode = #tpu.pipeline_mode<synchronous>, transform_indices = @transform_4, window_bounds = array<i64: 3, 4096>}, {pipeline_mode = #tpu.pipeline_mode<synchronous>, transform_indices = @transform_5, window_bounds = array<i64: 4096, 8>}, {transform_indices = @transform_6, window_bounds = array<i64: 1, 3>}, {pipeline_mode = #tpu.pipeline_mode<synchronous>, transform_indices = @transform_7, window_bounds = array<i64: 392, 128>}, {pipeline_mode = #tpu.pipeline_mode<synchronous>, transform_indices = @transform_8, window_bounds = array<i64: 392, 128>}, {pipeline_mode = #tpu.pipeline_mode<synchronous>, transform_indices = @transform_9, window_bounds = array<i64: 392, 128>}, {pipeline_mode = #tpu.pipeline_mode<synchronous>, transform_indices = @transform_10, window_bounds = array<i64: 392, 128>}, {pipeline_mode = #tpu.pipeline_mode<synchronous>, transform_indices = @transform_11, window_bounds = array<i64: 392, 128>}, {pipeline_mode = #tpu.pipeline_mode<synchronous>, transform_indices = @transform_12, window_bounds = array<i64: 392, 128>}, {transform_indices = @transform_13, window_bounds = array<i64: 1, 4>}]} {
    %get3A = arith.constant 0 : index
    %get3A_0 = arith.constant 0 : index
    %get3A_1 = memref.load %arg7[%get3A, %get3A_0] : memref<1x3xf32, #tpu.memory_space<smem>>
    %get3A_2 = arith.constant 0 : index
    %get3A_3 = arith.constant 1 : index
    %get3A_4 = memref.load %arg7[%get3A_2, %get3A_3] : memref<1x3xf32, #tpu.memory_space<smem>>
    %get3A_5 = arith.constant 0 : index
    %get3A_6 = arith.constant 2 : index
    %get3A_7 = memref.load %arg7[%get3A_5, %get3A_6] : memref<1x3xf32, #tpu.memory_space<smem>>
    %get3A_8 = arith.constant 0 : index
    %get3A_9 = arith.constant 0 : index
    %get3A_10 = vector.load %arg4[%get3A_8, %get3A_9] : memref<3x4096xf32, #tpu.memory_space<vmem>>, vector<1x4096xf32>
    %get3A_11 = arith.constant 1 : index
    %get3A_12 = arith.constant 0 : index
    %get3A_13 = vector.load %arg4[%get3A_11, %get3A_12] : memref<3x4096xf32, #tpu.memory_space<vmem>>, vector<1x4096xf32>
    %get3A_14 = arith.constant 2 : index
    %get3A_15 = arith.constant 0 : index
    %get3A_16 = vector.load %arg4[%get3A_14, %get3A_15] : memref<3x4096xf32, #tpu.memory_space<vmem>>, vector<1x4096xf32>
    %reduce_sum3A = vector.shape_cast %get3A_10 : vector<1x4096xf32> to vector<1x1x4096xf32>
    %reduce_sum3A_17 = arith.constant dense<0.000000e+00> : vector<1xf32>
    %reduce_sum3A_18 = vector.multi_reduction <add>, %reduce_sum3A, %reduce_sum3A_17 [1, 2] : vector<1x1x4096xf32> to vector<1xf32>
    %reduce_sum3A_19 = vector.shape_cast %reduce_sum3A_18 : vector<1xf32> to vector<1x1x1xf32>
    %reduce_sum3A_20 = vector.extract %reduce_sum3A_19[0, 0, 0] : f32 from vector<1x1x1xf32>
    %div3A = arith.constant 4.096000e+03 : f32
    %div3A_21 = arith.divf %reduce_sum3A_20, %div3A : f32
    %reduce_sum3A_22 = vector.shape_cast %get3A_13 : vector<1x4096xf32> to vector<1x1x4096xf32>
    %reduce_sum3A_23 = arith.constant dense<0.000000e+00> : vector<1xf32>
    %reduce_sum3A_24 = vector.multi_reduction <add>, %reduce_sum3A_22, %reduce_sum3A_23 [1, 2] : vector<1x1x4096xf32> to vector<1xf32>
    %reduce_sum3A_25 = vector.shape_cast %reduce_sum3A_24 : vector<1xf32> to vector<1x1x1xf32>
    %reduce_sum3A_26 = vector.extract %reduce_sum3A_25[0, 0, 0] : f32 from vector<1x1x1xf32>
    %div3A_27 = arith.constant 4.096000e+03 : f32
    %div3A_28 = arith.divf %reduce_sum3A_26, %div3A_27 : f32
    %reduce_sum3A_29 = vector.shape_cast %get3A_16 : vector<1x4096xf32> to vector<1x1x4096xf32>
    %reduce_sum3A_30 = arith.constant dense<0.000000e+00> : vector<1xf32>
    %reduce_sum3A_31 = vector.multi_reduction <add>, %reduce_sum3A_29, %reduce_sum3A_30 [1, 2] : vector<1x1x4096xf32> to vector<1xf32>
    %reduce_sum3A_32 = vector.shape_cast %reduce_sum3A_31 : vector<1xf32> to vector<1x1x1xf32>
    %reduce_sum3A_33 = vector.extract %reduce_sum3A_32[0, 0, 0] : f32 from vector<1x1x1xf32>
    %div3A_34 = arith.constant 4.096000e+03 : f32
    %div3A_35 = arith.divf %reduce_sum3A_33, %div3A_34 : f32
    %sub3A = vector.broadcast %div3A_21 : f32 to vector<1x4096xf32>
    %sub3A_36 = arith.subf %get3A_10, %sub3A : vector<1x4096xf32>
    %mul3A = vector.broadcast %get3A_1 : f32 to vector<1x4096xf32>
    %mul3A_37 = arith.mulf %sub3A_36, %mul3A : vector<1x4096xf32>
    %sub3A_38 = vector.broadcast %div3A_28 : f32 to vector<1x4096xf32>
    %sub3A_39 = arith.subf %get3A_13, %sub3A_38 : vector<1x4096xf32>
    %mul3A_40 = vector.broadcast %get3A_4 : f32 to vector<1x4096xf32>
    %mul3A_41 = arith.mulf %sub3A_39, %mul3A_40 : vector<1x4096xf32>
    %add3A = arith.addf %mul3A_37, %mul3A_41 : vector<1x4096xf32>
    %sub3A_42 = vector.broadcast %div3A_35 : f32 to vector<1x4096xf32>
    %sub3A_43 = arith.subf %get3A_16, %sub3A_42 : vector<1x4096xf32>
    %mul3A_44 = vector.broadcast %get3A_7 : f32 to vector<1x4096xf32>
    %mul3A_45 = arith.mulf %sub3A_43, %mul3A_44 : vector<1x4096xf32>
    %add3A_46 = arith.addf %add3A, %mul3A_45 : vector<1x4096xf32>
    %reduce_min3A = vector.shape_cast %add3A_46 : vector<1x4096xf32> to vector<1x1x4096xf32>
    %reduce_min3A_47 = arith.constant dense<0x7F800000> : vector<1xf32>
    %reduce_min3A_48 = vector.multi_reduction <minimumf>, %reduce_min3A, %reduce_min3A_47 [1, 2] : vector<1x1x4096xf32> to vector<1xf32>
    %reduce_min3A_49 = vector.shape_cast %reduce_min3A_48 : vector<1xf32> to vector<1x1x1xf32>
    %reduce_min3A_50 = vector.extract %reduce_min3A_49[0, 0, 0] : f32 from vector<1x1x1xf32>
    %reduce_max3A = vector.shape_cast %add3A_46 : vector<1x4096xf32> to vector<1x1x4096xf32>
    %reduce_max3A_51 = arith.constant dense<0xFF800000> : vector<1xf32>
    %reduce_max3A_52 = vector.multi_reduction <maximumf>, %reduce_max3A, %reduce_max3A_51 [1, 2] : vector<1x1x4096xf32> to vector<1xf32>
    %reduce_max3A_53 = vector.shape_cast %reduce_max3A_52 : vector<1xf32> to vector<1x1x1xf32>
    %reduce_max3A_54 = vector.extract %reduce_max3A_53[0, 0, 0] : f32 from vector<1x1x1xf32>
    %eq3A = arith.constant 0 : i32
    %eq3A_55 = arith.cmpi eq, %arg0, %eq3A : i32
    %convert_element_type3A = arith.extui %eq3A_55 : i1 to i32
    %cond3A = arith.constant 0 : i32
    %cond3A_56 = arith.cmpi ne, %convert_element_type3A, %cond3A : i32
    scf.if %cond3A_56 {
      %mul3A_231 = arith.mulf %get3A_10, %get3A_10 : vector<1x4096xf32>
      %mul3A_232 = arith.mulf %get3A_13, %get3A_13 : vector<1x4096xf32>
      %add3A_233 = arith.addf %mul3A_231, %mul3A_232 : vector<1x4096xf32>
      %mul3A_234 = arith.mulf %get3A_16, %get3A_16 : vector<1x4096xf32>
      %add3A_235 = arith.addf %add3A_233, %mul3A_234 : vector<1x4096xf32>
      %mul3A_236 = arith.constant -2.000000e+00 : f32
      %mul3A_237 = vector.broadcast %mul3A_236 : f32 to vector<1x4096xf32>
      %mul3A_238 = arith.mulf %mul3A_237, %get3A_10 : vector<1x4096xf32>
      %mul3A_239 = arith.constant -2.000000e+00 : f32
      %mul3A_240 = vector.broadcast %mul3A_239 : f32 to vector<1x4096xf32>
      %mul3A_241 = arith.mulf %mul3A_240, %get3A_13 : vector<1x4096xf32>
      %mul3A_242 = arith.constant -2.000000e+00 : f32
      %mul3A_243 = vector.broadcast %mul3A_242 : f32 to vector<1x4096xf32>
      %mul3A_244 = arith.mulf %mul3A_243, %get3A_16 : vector<1x4096xf32>
      %broadcast_in_dim3A_245 = arith.constant 1.000000e+00 : f32
      %broadcast_in_dim3A_246 = vector.broadcast %broadcast_in_dim3A_245 : f32 to vector<1x4096xf32>
      %broadcast_in_dim3A_247 = arith.constant 1.000000e+00 : f32
      %broadcast_in_dim3A_248 = vector.broadcast %broadcast_in_dim3A_247 : f32 to vector<1x4096xf32>
      %broadcast_in_dim3A_249 = arith.constant 0.000000e+00 : f32
      %broadcast_in_dim3A_250 = vector.broadcast %broadcast_in_dim3A_249 : f32 to vector<2x4096xf32>
      %concatenate3A_251 = tpu.concatenate %mul3A_238, %mul3A_241, %mul3A_244, %broadcast_in_dim3A_246, %add3A_235, %broadcast_in_dim3A_248, %broadcast_in_dim3A_250 in 0 : vector<1x4096xf32>, vector<1x4096xf32>, vector<1x4096xf32>, vector<1x4096xf32>, vector<1x4096xf32>, vector<1x4096xf32>, vector<2x4096xf32> -> vector<8x4096xf32>
      %swap3A_252 = arith.constant 0 : index
      %swap3A_253 = arith.constant 0 : index
      %swap3A_254 = vector.load %arg17[%swap3A_252, %swap3A_253] : memref<8x4096xf32, #tpu.memory_space<vmem>>, vector<8x4096xf32>
      tpu.vector_store %arg17[%swap3A_252, %swap3A_253], %concatenate3A_251 {strides = array<i32>} : memref<8x4096xf32, #tpu.memory_space<vmem>>, vector<8x4096xf32>,
      %get3A_255 = arith.constant 0 : index
      %get3A_256 = arith.constant 0 : index
      %get3A_257 = vector.load %arg8[%get3A_255, %get3A_256] : memref<392x128xf32, #tpu.memory_space<vmem>>, vector<392x128xf32>
      %get3A_258 = arith.constant 0 : index
      %get3A_259 = arith.constant 0 : index
      %get3A_260 = vector.load %arg9[%get3A_258, %get3A_259] : memref<392x128xf32, #tpu.memory_space<vmem>>, vector<392x128xf32>
      %get3A_261 = arith.constant 0 : index
      %get3A_262 = arith.constant 0 : index
      %get3A_263 = vector.load %arg10[%get3A_261, %get3A_262] : memref<392x128xf32, #tpu.memory_space<vmem>>, vector<392x128xf32>
      %get3A_264 = arith.constant 0 : index
      %get3A_265 = arith.constant 0 : index
      %get3A_266 = vector.load %arg11[%get3A_264, %get3A_265] : memref<392x128xf32, #tpu.memory_space<vmem>>, vector<392x128xf32>
      %get3A_267 = arith.constant 0 : index
      %get3A_268 = arith.constant 0 : index
      %get3A_269 = vector.load %arg12[%get3A_267, %get3A_268] : memref<392x128xf32, #tpu.memory_space<vmem>>, vector<392x128xf32>
      %get3A_270 = arith.constant 0 : index
      %get3A_271 = arith.constant 0 : index
      %get3A_272 = vector.load %arg13[%get3A_270, %get3A_271] : memref<392x128xf32, #tpu.memory_space<vmem>>, vector<392x128xf32>
      %sub3A_273 = arith.subf %get3A_257, %get3A_266 : vector<392x128xf32>
      %sub3A_274 = arith.subf %get3A_260, %get3A_269 : vector<392x128xf32>
      %sub3A_275 = arith.subf %get3A_263, %get3A_272 : vector<392x128xf32>
      %mul3A_276 = vector.broadcast %get3A_1 : f32 to vector<392x128xf32>
      %mul3A_277 = arith.mulf %sub3A_273, %mul3A_276 : vector<392x128xf32>
      %mul3A_278 = vector.broadcast %get3A_4 : f32 to vector<392x128xf32>
      %mul3A_279 = arith.mulf %sub3A_274, %mul3A_278 : vector<392x128xf32>
      %add3A_280 = arith.addf %mul3A_277, %mul3A_279 : vector<392x128xf32>
      %mul3A_281 = vector.broadcast %get3A_7 : f32 to vector<392x128xf32>
      %mul3A_282 = arith.mulf %sub3A_275, %mul3A_281 : vector<392x128xf32>
      %add3A_283 = arith.addf %add3A_280, %mul3A_282 : vector<392x128xf32>
      %mul3A_284 = arith.mulf %add3A_283, %add3A_283 : vector<392x128xf32>
      %reduce_sum3A_285 = vector.shape_cast %mul3A_284 : vector<392x128xf32> to vector<1x392x128xf32>
      %reduce_sum3A_286 = arith.constant dense<0.000000e+00> : vector<1xf32>
      %reduce_sum3A_287 = vector.multi_reduction <add>, %reduce_sum3A_285, %reduce_sum3A_286 [1, 2] : vector<1x392x128xf32> to vector<1xf32>
      %reduce_sum3A_288 = vector.shape_cast %reduce_sum3A_287 : vector<1xf32> to vector<1x1x1xf32>
      %reduce_sum3A_289 = vector.extract %reduce_sum3A_288[0, 0, 0] : f32 from vector<1x1x1xf32>
      %mul3A_290 = vector.broadcast %get3A_1 : f32 to vector<392x128xf32>
      %mul3A_291 = arith.mulf %get3A_266, %mul3A_290 : vector<392x128xf32>
      %mul3A_292 = vector.broadcast %get3A_4 : f32 to vector<392x128xf32>
      %mul3A_293 = arith.mulf %get3A_269, %mul3A_292 : vector<392x128xf32>
      %add3A_294 = arith.addf %mul3A_291, %mul3A_293 : vector<392x128xf32>
      %mul3A_295 = vector.broadcast %get3A_7 : f32 to vector<392x128xf32>
      %mul3A_296 = arith.mulf %get3A_272, %mul3A_295 : vector<392x128xf32>
      %add3A_297 = arith.addf %add3A_294, %mul3A_296 : vector<392x128xf32>
      %bitcast_convert_type3A = tpu.bitcast %add3A_297 : vector<392x128xf32> -> vector<392x128xi32>
      %ge3A_298 = arith.constant 0 : i32
      %ge3A_299 = vector.broadcast %ge3A_298 : i32 to vector<392x128xi32>
      %ge3A_300 = arith.cmpi sge, %bitcast_convert_type3A, %ge3A_299 : vector<392x128xi32>
      %sub3A_301 = arith.constant -2147483648 : i32
      %sub3A_302 = vector.broadcast %sub3A_301 : i32 to vector<392x128xi32>
      %sub3A_303 = arith.subi %sub3A_302, %bitcast_convert_type3A : vector<392x128xi32>
      %select_n3A_304 = arith.select %ge3A_300, %bitcast_convert_type3A, %sub3A_303 : vector<392x128xi1>, vector<392x128xi32>
      %iota3A_305 = tpu.iota {dimensions = array<i32: 0>} : vector<392x128xi32>
      %mul3A_306 = arith.constant 128 : i32
      %mul3A_307 = vector.broadcast %mul3A_306 : i32 to vector<392x128xi32>
      %mul3A_308 = arith.muli %iota3A_305, %mul3A_307 : vector<392x128xi32>
      %iota3A_309 = tpu.iota {dimensions = array<i32: 1>} : vector<392x128xi32>
      %add3A_310 = arith.addi %mul3A_308, %iota3A_309 : vector<392x128xi32>
      %lt3A_311 = arith.constant 50000 : i32
      %lt3A_312 = vector.broadcast %lt3A_311 : i32 to vector<392x128xi32>
      %lt3A_313 = arith.cmpi slt, %add3A_310, %lt3A_312 : vector<392x128xi32>
      %jit3A_314 = arith.constant 2147483647 : i32
      %broadcast_in_dim3A_315 = vector.broadcast %jit3A_314 : i32 to vector<392x128xi32>
      %select_n3A_316 = arith.select %lt3A_313, %select_n3A_304, %broadcast_in_dim3A_315 : vector<392x128xi1>, vector<392x128xi32>
      %not3A = arith.constant dense<-1> : vector<392x128xi32>
      %not3A_317 = arith.xori %select_n3A_316, %not3A : vector<392x128xi32>
      %scan3A = arith.constant 2500 : i32
      %scan3A_318 = arith.constant 2676 : i32
      %scan3A_319 = arith.constant -2147483648 : i32
      %scan3A_320 = arith.constant -2147483648 : i32
      %scan3A_321 = arith.constant 0 : i32
      %scan3A_322 = arith.constant 32 : i32
      %scan3A_323 = arith.addi %scan3A_321, %scan3A_322 : i32
      %scan3A_324 = arith.constant 1 : i32
      %scan3A_325:2 = scf.for %scan3A_403 = %scan3A_321 to %scan3A_323 step %scan3A_324 iter_args(%scan3A_404 = %scan3A_319, %scan3A_405 = %scan3A_320) -> (i32, i32)  : i32 {
        %sub3A_406 = arith.constant 31 : i32
        %sub3A_407 = arith.subi %sub3A_406, %scan3A_403 : i32
        %shift_left3A = arith.constant 1 : i32
        %shift_left3A_408 = arith.shli %shift_left3A, %sub3A_407 : i32
        %add3A_409 = arith.addi %scan3A_404, %shift_left3A_408 : i32
        %add3A_410 = arith.addi %scan3A_405, %shift_left3A_408 : i32
        %lt3A_411 = vector.broadcast %add3A_409 : i32 to vector<392x128xi32>
        %lt3A_412 = arith.cmpi slt, %select_n3A_316, %lt3A_411 : vector<392x128xi32>
        %jit3A_413 = arith.constant 1 : i32
        %jit3A_414 = arith.constant 0 : i32
        %broadcast_in_dim3A_415 = vector.broadcast %jit3A_413 : i32 to vector<392x128xi32>
        %broadcast_in_dim3A_416 = vector.broadcast %jit3A_414 : i32 to vector<392x128xi32>
        %select_n3A_417 = arith.select %lt3A_412, %broadcast_in_dim3A_415, %broadcast_in_dim3A_416 : vector<392x128xi1>, vector<392x128xi32>
        %reduce_sum3A_418 = vector.shape_cast %select_n3A_417 : vector<392x128xi32> to vector<1x392x128xi32>
        %reduce_sum3A_419 = arith.constant dense<0> : vector<1xi32>
        %reduce_sum3A_420 = vector.multi_reduction <add>, %reduce_sum3A_418, %reduce_sum3A_419 [1, 2] : vector<1x392x128xi32> to vector<1xi32>
        %reduce_sum3A_421 = vector.shape_cast %reduce_sum3A_420 : vector<1xi32> to vector<1x1x1xi32>
        %reduce_sum3A_422 = vector.extract %reduce_sum3A_421[0, 0, 0] : i32 from vector<1x1x1xi32>
        %lt3A_423 = vector.broadcast %add3A_410 : i32 to vector<392x128xi32>
        %lt3A_424 = arith.cmpi slt, %not3A_317, %lt3A_423 : vector<392x128xi32>
        %jit3A_425 = arith.constant 1 : i32
        %jit3A_426 = arith.constant 0 : i32
        %broadcast_in_dim3A_427 = vector.broadcast %jit3A_425 : i32 to vector<392x128xi32>
        %broadcast_in_dim3A_428 = vector.broadcast %jit3A_426 : i32 to vector<392x128xi32>
        %select_n3A_429 = arith.select %lt3A_424, %broadcast_in_dim3A_427, %broadcast_in_dim3A_428 : vector<392x128xi1>, vector<392x128xi32>
        %reduce_sum3A_430 = vector.shape_cast %select_n3A_429 : vector<392x128xi32> to vector<1x392x128xi32>
        %reduce_sum3A_431 = arith.constant dense<0> : vector<1xi32>
        %reduce_sum3A_432 = vector.multi_reduction <add>, %reduce_sum3A_430, %reduce_sum3A_431 [1, 2] : vector<1x392x128xi32> to vector<1xi32>
        %reduce_sum3A_433 = vector.shape_cast %reduce_sum3A_432 : vector<1xi32> to vector<1x1x1xi32>
        %reduce_sum3A_434 = vector.extract %reduce_sum3A_433[0, 0, 0] : i32 from vector<1x1x1xi32>
        %lt3A_435 = arith.cmpi slt, %reduce_sum3A_422, %scan3A : i32
        %select_n3A_436 = arith.select %lt3A_435, %add3A_409, %scan3A_404 : i32
        %lt3A_437 = arith.cmpi slt, %reduce_sum3A_434, %scan3A_318 : i32
        %select_n3A_438 = arith.select %lt3A_437, %add3A_410, %scan3A_405 : i32
        scf.yield %select_n3A_436, %select_n3A_438 : i32, i32
      }
      %scan3A_326 = arith.constant 32 : i32
      %lt3A_327 = vector.broadcast %scan3A_325#0 : i32 to vector<392x128xi32>
      %lt3A_328 = arith.cmpi slt, %select_n3A_316, %lt3A_327 : vector<392x128xi32>
      %jit3A_329 = arith.constant 1 : i32
      %jit3A_330 = arith.constant 0 : i32
      %broadcast_in_dim3A_331 = vector.broadcast %jit3A_329 : i32 to vector<392x128xi32>
      %broadcast_in_dim3A_332 = vector.broadcast %jit3A_330 : i32 to vector<392x128xi32>
      %select_n3A_333 = arith.select %lt3A_328, %broadcast_in_dim3A_331, %broadcast_in_dim3A_332 : vector<392x128xi1>, vector<392x128xi32>
      %reduce_sum3A_334 = vector.shape_cast %select_n3A_333 : vector<392x128xi32> to vector<1x392x128xi32>
      %reduce_sum3A_335 = arith.constant dense<0> : vector<1xi32>
      %reduce_sum3A_336 = vector.multi_reduction <add>, %reduce_sum3A_334, %reduce_sum3A_335 [1, 2] : vector<1x392x128xi32> to vector<1xi32>
      %reduce_sum3A_337 = vector.shape_cast %reduce_sum3A_336 : vector<1xi32> to vector<1x1x1xi32>
      %reduce_sum3A_338 = vector.extract %reduce_sum3A_337[0, 0, 0] : i32 from vector<1x1x1xi32>
      %sub3A_339 = arith.constant 2500 : i32
      %sub3A_340 = arith.subi %sub3A_339, %reduce_sum3A_338 : i32
      %lt3A_341 = vector.broadcast %scan3A_325#1 : i32 to vector<392x128xi32>
      %lt3A_342 = arith.cmpi slt, %not3A_317, %lt3A_341 : vector<392x128xi32>
      %jit3A_343 = arith.constant 1 : i32
      %jit3A_344 = arith.constant 0 : i32
      %broadcast_in_dim3A_345 = vector.broadcast %jit3A_343 : i32 to vector<392x128xi32>
      %broadcast_in_dim3A_346 = vector.broadcast %jit3A_344 : i32 to vector<392x128xi32>
      %select_n3A_347 = arith.select %lt3A_342, %broadcast_in_dim3A_345, %broadcast_in_dim3A_346 : vector<392x128xi1>, vector<392x128xi32>
      %reduce_sum3A_348 = vector.shape_cast %select_n3A_347 : vector<392x128xi32> to vector<1x392x128xi32>
      %reduce_sum3A_349 = arith.constant dense<0> : vector<1xi32>
      %reduce_sum3A_350 = vector.multi_reduction <add>, %reduce_sum3A_348, %reduce_sum3A_349 [1, 2] : vector<1x392x128xi32> to vector<1xi32>
      %reduce_sum3A_351 = vector.shape_cast %reduce_sum3A_350 : vector<1xi32> to vector<1x1x1xi32>
      %reduce_sum3A_352 = vector.extract %reduce_sum3A_351[0, 0, 0] : i32 from vector<1x1x1xi32>
      %sub3A_353 = arith.constant 2676 : i32
      %sub3A_354 = arith.subi %sub3A_353, %reduce_sum3A_352 : i32
      %eq3A_355 = vector.broadcast %scan3A_325#0 : i32 to vector<392x128xi32>
      %eq3A_356 = arith.cmpi eq, %select_n3A_316, %eq3A_355 : vector<392x128xi32>
      %eq3A_357 = vector.broadcast %scan3A_325#1 : i32 to vector<392x128xi32>
      %eq3A_358 = arith.cmpi eq, %not3A_317, %eq3A_357 : vector<392x128xi32>
      %sub3A_359 = arith.constant 50175 : i32
      %sub3A_360 = vector.broadcast %sub3A_359 : i32 to vector<392x128xi32>
      %sub3A_361 = arith.subi %sub3A_360, %add3A_310 : vector<392x128xi32>
      %scan3A_362 = arith.constant 0 : i32
      %scan3A_363 = arith.constant 0 : i32
      %scan3A_364 = arith.constant 0 : i32
      %scan3A_365 = arith.constant 17 : i32
      %scan3A_366 = arith.addi %scan3A_364, %scan3A_365 : i32
      %scan3A_367 = arith.constant 1 : i32
      %scan3A_368:2 = scf.for %scan3A_403 = %scan3A_364 to %scan3A_366 step %scan3A_367 iter_args(%scan3A_404 = %scan3A_362, %scan3A_405 = %scan3A_363) -> (i32, i32)  : i32 {
        %sub3A_406 = arith.constant 16 : i32
        %sub3A_407 = arith.subi %sub3A_406, %scan3A_403 : i32
        %shift_left3A = arith.constant 1 : i32
        %shift_left3A_408 = arith.shli %shift_left3A, %sub3A_407 : i32
        %add3A_409 = arith.addi %scan3A_404, %shift_left3A_408 : i32
        %add3A_410 = arith.addi %scan3A_405, %shift_left3A_408 : i32
        %lt3A_411 = vector.broadcast %add3A_409 : i32 to vector<392x128xi32>
        %lt3A_412 = arith.cmpi slt, %add3A_310, %lt3A_411 : vector<392x128xi32>
        %and3A_413 = arith.andi %eq3A_356, %lt3A_412 : vector<392x128xi1>
        %jit3A_414 = arith.constant 1 : i32
        %jit3A_415 = arith.constant 0 : i32
        %broadcast_in_dim3A_416 = vector.broadcast %jit3A_414 : i32 to vector<392x128xi32>
        %broadcast_in_dim3A_417 = vector.broadcast %jit3A_415 : i32 to vector<392x128xi32>
        %select_n3A_418 = arith.select %and3A_413, %broadcast_in_dim3A_416, %broadcast_in_dim3A_417 : vector<392x128xi1>, vector<392x128xi32>
        %reduce_sum3A_419 = vector.shape_cast %select_n3A_418 : vector<392x128xi32> to vector<1x392x128xi32>
        %reduce_sum3A_420 = arith.constant dense<0> : vector<1xi32>
        %reduce_sum3A_421 = vector.multi_reduction <add>, %reduce_sum3A_419, %reduce_sum3A_420 [1, 2] : vector<1x392x128xi32> to vector<1xi32>
        %reduce_sum3A_422 = vector.shape_cast %reduce_sum3A_421 : vector<1xi32> to vector<1x1x1xi32>
        %reduce_sum3A_423 = vector.extract %reduce_sum3A_422[0, 0, 0] : i32 from vector<1x1x1xi32>
        %lt3A_424 = vector.broadcast %add3A_410 : i32 to vector<392x128xi32>
        %lt3A_425 = arith.cmpi slt, %sub3A_361, %lt3A_424 : vector<392x128xi32>
        %and3A_426 = arith.andi %eq3A_358, %lt3A_425 : vector<392x128xi1>
        %jit3A_427 = arith.constant 1 : i32
        %jit3A_428 = arith.constant 0 : i32
        %broadcast_in_dim3A_429 = vector.broadcast %jit3A_427 : i32 to vector<392x128xi32>
        %broadcast_in_dim3A_430 = vector.broadcast %jit3A_428 : i32 to vector<392x128xi32>
        %select_n3A_431 = arith.select %and3A_426, %broadcast_in_dim3A_429, %broadcast_in_dim3A_430 : vector<392x128xi1>, vector<392x128xi32>
        %reduce_sum3A_432 = vector.shape_cast %select_n3A_431 : vector<392x128xi32> to vector<1x392x128xi32>
        %reduce_sum3A_433 = arith.constant dense<0> : vector<1xi32>
        %reduce_sum3A_434 = vector.multi_reduction <add>, %reduce_sum3A_432, %reduce_sum3A_433 [1, 2] : vector<1x392x128xi32> to vector<1xi32>
        %reduce_sum3A_435 = vector.shape_cast %reduce_sum3A_434 : vector<1xi32> to vector<1x1x1xi32>
        %reduce_sum3A_436 = vector.extract %reduce_sum3A_435[0, 0, 0] : i32 from vector<1x1x1xi32>
        %lt3A_437 = arith.cmpi slt, %reduce_sum3A_423, %sub3A_340 : i32
        %select_n3A_438 = arith.select %lt3A_437, %add3A_409, %scan3A_404 : i32
        %lt3A_439 = arith.cmpi slt, %reduce_sum3A_436, %sub3A_354 : i32
        %select_n3A_440 = arith.select %lt3A_439, %add3A_410, %scan3A_405 : i32
        scf.yield %select_n3A_438, %select_n3A_440 : i32, i32
      }
      %scan3A_369 = arith.constant 17 : i32
      %lt3A_370 = vector.broadcast %scan3A_325#0 : i32 to vector<392x128xi32>
      %lt3A_371 = arith.cmpi slt, %select_n3A_316, %lt3A_370 : vector<392x128xi32>
      %le3A_372 = vector.broadcast %scan3A_368#0 : i32 to vector<392x128xi32>
      %le3A_373 = arith.cmpi sle, %add3A_310, %le3A_372 : vector<392x128xi32>
      %and3A_374 = arith.andi %eq3A_356, %le3A_373 : vector<392x128xi1>
      %or3A = arith.ori %lt3A_371, %and3A_374 : vector<392x128xi1>
      %lt3A_375 = vector.broadcast %scan3A_325#1 : i32 to vector<392x128xi32>
      %lt3A_376 = arith.cmpi slt, %not3A_317, %lt3A_375 : vector<392x128xi32>
      %le3A_377 = vector.broadcast %scan3A_368#1 : i32 to vector<392x128xi32>
      %le3A_378 = arith.cmpi sle, %sub3A_361, %le3A_377 : vector<392x128xi32>
      %and3A_379 = arith.andi %eq3A_358, %le3A_378 : vector<392x128xi1>
      %or3A_380 = arith.ori %lt3A_376, %and3A_379 : vector<392x128xi1>
      %mul3A_381 = arith.mulf %sub3A_273, %sub3A_273 : vector<392x128xf32>
      %mul3A_382 = arith.mulf %sub3A_274, %sub3A_274 : vector<392x128xf32>
      %add3A_383 = arith.addf %mul3A_381, %mul3A_382 : vector<392x128xf32>
      %mul3A_384 = arith.mulf %sub3A_275, %sub3A_275 : vector<392x128xf32>
      %add3A_385 = arith.addf %add3A_383, %mul3A_384 : vector<392x128xf32>
      %convert_element_type3A_386 = arith.extui %or3A : vector<392x128xi1> to vector<392x128xi32>
      %convert_element_type3A_387 = arith.sitofp %convert_element_type3A_386 : vector<392x128xi32> to vector<392x128xf32>
      %convert_element_type3A_388 = arith.extui %or3A_380 : vector<392x128xi1> to vector<392x128xi32>
      %convert_element_type3A_389 = arith.sitofp %convert_element_type3A_388 : vector<392x128xi32> to vector<392x128xf32>
      %add3A_390 = arith.addf %convert_element_type3A_387, %convert_element_type3A_389 : vector<392x128xf32>
      %mul3A_391 = arith.mulf %add3A_385, %add3A_390 : vector<392x128xf32>
      %reduce_sum3A_392 = vector.shape_cast %mul3A_391 : vector<392x128xf32> to vector<1x392x128xf32>
      %reduce_sum3A_393 = arith.constant dense<0.000000e+00> : vector<1xf32>
      %reduce_sum3A_394 = vector.multi_reduction <add>, %reduce_sum3A_392, %reduce_sum3A_393 [1, 2] : vector<1x392x128xf32> to vector<1xf32>
      %reduce_sum3A_395 = vector.shape_cast %reduce_sum3A_394 : vector<1xf32> to vector<1x1x1xf32>
      %reduce_sum3A_396 = vector.extract %reduce_sum3A_395[0, 0, 0] : f32 from vector<1x1x1xf32>
      %swap3A_397 = arith.constant 0 : index
      %swap3A_398 = arith.constant 2 : index
      %swap3A_399 = memref.load %arg14[%swap3A_397, %swap3A_398] : memref<1x4xf32, #tpu.memory_space<smem>>
      memref.store %reduce_sum3A_289, %arg14[%swap3A_397, %swap3A_398] : memref<1x4xf32, #tpu.memory_space<smem>>
      %swap3A_400 = arith.constant 0 : index
      %swap3A_401 = arith.constant 3 : index
      %swap3A_402 = memref.load %arg14[%swap3A_400, %swap3A_401] : memref<1x4xf32, #tpu.memory_space<smem>>
      memref.store %reduce_sum3A_396, %arg14[%swap3A_400, %swap3A_401] : memref<1x4xf32, #tpu.memory_space<smem>>
    } else {
    }
    %get3A_57 = arith.constant 0 : index
    %get3A_58 = arith.constant 0 : index
    %get3A_59 = vector.load %arg1[%get3A_57, %get3A_58] : memref<512x3xf32, #tpu.memory_space<vmem>>, vector<512x1xf32>
    %get3A_60 = arith.constant 0 : index
    %get3A_61 = arith.constant 1 : index
    %get3A_62 = vector.load %arg1[%get3A_60, %get3A_61] : memref<512x3xf32, #tpu.memory_space<vmem>>, vector<512x1xf32>
    %get3A_63 = arith.constant 0 : index
    %get3A_64 = arith.constant 2 : index
    %get3A_65 = vector.load %arg1[%get3A_63, %get3A_64] : memref<512x3xf32, #tpu.memory_space<vmem>>, vector<512x1xf32>
    %sub3A_66 = vector.broadcast %div3A_21 : f32 to vector<512x1xf32>
    %sub3A_67 = arith.subf %get3A_59, %sub3A_66 : vector<512x1xf32>
    %mul3A_68 = vector.broadcast %get3A_1 : f32 to vector<512x1xf32>
    %mul3A_69 = arith.mulf %sub3A_67, %mul3A_68 : vector<512x1xf32>
    %sub3A_70 = vector.broadcast %div3A_28 : f32 to vector<512x1xf32>
    %sub3A_71 = arith.subf %get3A_62, %sub3A_70 : vector<512x1xf32>
    %mul3A_72 = vector.broadcast %get3A_4 : f32 to vector<512x1xf32>
    %mul3A_73 = arith.mulf %sub3A_71, %mul3A_72 : vector<512x1xf32>
    %add3A_74 = arith.addf %mul3A_69, %mul3A_73 : vector<512x1xf32>
    %sub3A_75 = vector.broadcast %div3A_35 : f32 to vector<512x1xf32>
    %sub3A_76 = arith.subf %get3A_65, %sub3A_75 : vector<512x1xf32>
    %mul3A_77 = vector.broadcast %get3A_7 : f32 to vector<512x1xf32>
    %mul3A_78 = arith.mulf %sub3A_76, %mul3A_77 : vector<512x1xf32>
    %add3A_79 = arith.addf %add3A_74, %mul3A_78 : vector<512x1xf32>
    %mul3A_80 = arith.constant 512 : i32
    %mul3A_81 = arith.muli %arg0, %mul3A_80 : i32
    %iota3A = tpu.iota {dimensions = array<i32: 0>} : vector<512x1xi32>
    %add3A_82 = vector.broadcast %mul3A_81 : i32 to vector<512x1xi32>
    %add3A_83 = arith.addi %add3A_82, %iota3A : vector<512x1xi32>
    %lt3A = arith.constant 5000 : i32
    %lt3A_84 = vector.broadcast %lt3A : i32 to vector<512x1xi32>
    %lt3A_85 = arith.cmpi slt, %add3A_83, %lt3A_84 : vector<512x1xi32>
    %ge3A = vector.broadcast %reduce_min3A_50 : f32 to vector<512x1xf32>
    %ge3A_86 = arith.cmpf oge, %add3A_79, %ge3A : vector<512x1xf32>
    %le3A = vector.broadcast %reduce_max3A_54 : f32 to vector<512x1xf32>
    %le3A_87 = arith.cmpf ole, %add3A_79, %le3A : vector<512x1xf32>
    %and3A = arith.andi %ge3A_86, %le3A_87 : vector<512x1xi1>
    %and3A_88 = arith.andi %and3A, %lt3A_85 : vector<512x1xi1>
    %convert_element_type3A_89 = arith.extui %and3A_88 : vector<512x1xi1> to vector<512x1xi32>
    %convert_element_type3A_90 = arith.sitofp %convert_element_type3A_89 : vector<512x1xi32> to vector<512x1xf32>
    %sub3A_91 = arith.constant 1.000000e+00 : f32
    %sub3A_92 = vector.broadcast %sub3A_91 : f32 to vector<512x1xf32>
    %sub3A_93 = arith.subf %sub3A_92, %convert_element_type3A_90 : vector<512x1xf32>
    %mul3A_94 = arith.constant 1.000000e+10 : f32
    %mul3A_95 = vector.broadcast %mul3A_94 : f32 to vector<512x1xf32>
    %mul3A_96 = arith.mulf %sub3A_93, %mul3A_95 : vector<512x1xf32>
    %jit3A = arith.constant 0.000000e+00 : f32
    %jit3A_97 = arith.constant 1.000000e+20 : f32
    %broadcast_in_dim3A = vector.broadcast %jit3A : f32 to vector<512x1xf32>
    %broadcast_in_dim3A_98 = vector.broadcast %jit3A_97 : f32 to vector<512x1xf32>
    %select_n3A = arith.select %lt3A_85, %broadcast_in_dim3A, %broadcast_in_dim3A_98 : vector<512x1xi1>, vector<512x1xf32>
    %add3A_99 = arith.addf %mul3A_96, %select_n3A : vector<512x1xf32>
    %mul3A_100 = arith.mulf %get3A_59, %get3A_59 : vector<512x1xf32>
    %mul3A_101 = arith.mulf %get3A_62, %get3A_62 : vector<512x1xf32>
    %add3A_102 = arith.addf %mul3A_100, %mul3A_101 : vector<512x1xf32>
    %mul3A_103 = arith.mulf %get3A_65, %get3A_65 : vector<512x1xf32>
    %add3A_104 = arith.addf %add3A_102, %mul3A_103 : vector<512x1xf32>
    %broadcast_in_dim3A_105 = arith.constant 1.000000e+00 : f32
    %broadcast_in_dim3A_106 = vector.broadcast %broadcast_in_dim3A_105 : f32 to vector<512x1xf32>
    %broadcast_in_dim3A_107 = arith.constant 0.000000e+00 : f32
    %broadcast_in_dim3A_108 = vector.broadcast %broadcast_in_dim3A_107 : f32 to vector<512x2xf32>
    %concatenate3A = tpu.concatenate %get3A_59, %get3A_62, %get3A_65, %add3A_104, %broadcast_in_dim3A_106, %add3A_99, %broadcast_in_dim3A_108 in 1 : vector<512x1xf32>, vector<512x1xf32>, vector<512x1xf32>, vector<512x1xf32>, vector<512x1xf32>, vector<512x1xf32>, vector<512x2xf32> -> vector<512x8xf32>
    %get3A_109 = arith.constant 0 : index
    %get3A_110 = arith.constant 0 : index
    %get3A_111 = vector.load %arg17[%get3A_109, %get3A_110] : memref<8x4096xf32, #tpu.memory_space<vmem>>, vector<8x4096xf32>
    %dot_general3A = arith.constant dense<0.000000e+00> : vector<512x4096xf32>
    %dot_general3A_112 = tpu.matmul %concatenate3A, %get3A_111, %dot_general3A {dimension_numbers = #tpu.dot_dimension_numbers<[1], [0], [0], [1], [0, 0, 1, 1], [], []>, transpose_lhs_hint = false} : vector<512x8xf32>, vector<8x4096xf32>, vector<512x4096xf32> -> vector<512x4096xf32>
    %max3A = arith.constant 0.000000e+00 : f32
    %max3A_113 = vector.broadcast %max3A : f32 to vector<512x4096xf32>
    %max3A_114 = arith.maximumf %dot_general3A_112, %max3A_113 : vector<512x4096xf32>
    %reduce_min3A_115 = arith.constant dense<0x7F800000> : vector<512xf32>
    %reduce_min3A_116 = vector.multi_reduction <minimumf>, %max3A_114, %reduce_min3A_115 [1] : vector<512x4096xf32> to vector<512xf32>
    %broadcast_in_dim3A_117 = vector.shape_cast %reduce_min3A_116 : vector<512xf32> to vector<512x1xf32>
    %eq3A_118 = vector.broadcast %broadcast_in_dim3A_117 : vector<512x1xf32> to vector<512x4096xf32>
    %eq3A_119 = arith.cmpf oeq, %max3A_114, %eq3A_118 : vector<512x4096xf32>
    %convert_element_type3A_120 = arith.extui %eq3A_119 : vector<512x4096xi1> to vector<512x4096xi32>
    %convert_element_type3A_121 = arith.sitofp %convert_element_type3A_120 : vector<512x4096xi32> to vector<512x4096xf32>
    %get3A_122 = arith.constant 0 : index
    %get3A_123 = arith.constant 0 : index
    %get3A_124 = vector.load %arg6[%get3A_122, %get3A_123] : memref<4096x8xf32, #tpu.memory_space<vmem>>, vector<4096x8xf32>
    %dot_general3A_125 = arith.constant dense<0.000000e+00> : vector<512x8xf32>
    %dot_general3A_126 = tpu.matmul %convert_element_type3A_121, %get3A_124, %dot_general3A_125 {dimension_numbers = #tpu.dot_dimension_numbers<[1], [0], [0], [1], [0, 0, 1, 1], [], []>, transpose_lhs_hint = false} : vector<512x4096xf32>, vector<4096x8xf32>, vector<512x8xf32> -> vector<512x8xf32>
    %slice3A = vector.extract_strided_slice %dot_general3A_126 {offsets = [0, 0], sizes = [512, 1], strides = [1, 1]} : vector<512x8xf32> to vector<512x1xf32>
    %slice3A_127 = vector.extract_strided_slice %dot_general3A_126 {offsets = [0, 1], sizes = [512, 1], strides = [1, 1]} : vector<512x8xf32> to vector<512x1xf32>
    %slice3A_128 = vector.extract_strided_slice %dot_general3A_126 {offsets = [0, 2], sizes = [512, 1], strides = [1, 1]} : vector<512x8xf32> to vector<512x1xf32>
    %get3A_129 = arith.constant 0 : index
    %get3A_130 = arith.constant 0 : index
    %get3A_131 = vector.load %arg2[%get3A_129, %get3A_130] : memref<512x3xf32, #tpu.memory_space<vmem>>, vector<512x1xf32>
    %get3A_132 = arith.constant 0 : index
    %get3A_133 = arith.constant 1 : index
    %get3A_134 = vector.load %arg2[%get3A_132, %get3A_133] : memref<512x3xf32, #tpu.memory_space<vmem>>, vector<512x1xf32>
    %get3A_135 = arith.constant 0 : index
    %get3A_136 = arith.constant 2 : index
    %get3A_137 = vector.load %arg2[%get3A_135, %get3A_136] : memref<512x3xf32, #tpu.memory_space<vmem>>, vector<512x1xf32>
    %mul3A_138 = arith.mulf %get3A_131, %get3A_131 : vector<512x1xf32>
    %mul3A_139 = arith.mulf %get3A_134, %get3A_134 : vector<512x1xf32>
    %add3A_140 = arith.addf %mul3A_138, %mul3A_139 : vector<512x1xf32>
    %mul3A_141 = arith.mulf %get3A_137, %get3A_137 : vector<512x1xf32>
    %add3A_142 = arith.addf %add3A_140, %mul3A_141 : vector<512x1xf32>
    %mul3A_143 = arith.mulf %slice3A, %slice3A : vector<512x1xf32>
    %mul3A_144 = arith.mulf %slice3A_127, %slice3A_127 : vector<512x1xf32>
    %add3A_145 = arith.addf %mul3A_143, %mul3A_144 : vector<512x1xf32>
    %mul3A_146 = arith.mulf %slice3A_128, %slice3A_128 : vector<512x1xf32>
    %add3A_147 = arith.addf %add3A_145, %mul3A_146 : vector<512x1xf32>
    %mul3A_148 = arith.mulf %get3A_131, %slice3A : vector<512x1xf32>
    %mul3A_149 = arith.mulf %get3A_134, %slice3A_127 : vector<512x1xf32>
    %add3A_150 = arith.addf %mul3A_148, %mul3A_149 : vector<512x1xf32>
    %mul3A_151 = arith.mulf %get3A_137, %slice3A_128 : vector<512x1xf32>
    %add3A_152 = arith.addf %add3A_150, %mul3A_151 : vector<512x1xf32>
    %sqrt3A = math.sqrt %add3A_142 : vector<512x1xf32>
    %sqrt3A_153 = math.sqrt %add3A_147 : vector<512x1xf32>
    %mul3A_154 = arith.mulf %sqrt3A, %sqrt3A_153 : vector<512x1xf32>
    %add3A_155 = arith.constant 9.99999993E-9 : f32
    %add3A_156 = vector.broadcast %add3A_155 : f32 to vector<512x1xf32>
    %add3A_157 = arith.addf %mul3A_154, %add3A_156 : vector<512x1xf32>
    %div3A_158 = arith.divf %add3A_152, %add3A_157 : vector<512x1xf32>
    %mul3A_159 = arith.mulf %broadcast_in_dim3A_117, %convert_element_type3A_90 : vector<512x1xf32>
    %reduce_sum3A_160 = vector.shape_cast %mul3A_159 : vector<512x1xf32> to vector<1x512x1xf32>
    %reduce_sum3A_161 = arith.constant dense<0.000000e+00> : vector<1xf32>
    %reduce_sum3A_162 = vector.multi_reduction <add>, %reduce_sum3A_160, %reduce_sum3A_161 [1, 2] : vector<1x512x1xf32> to vector<1xf32>
    %reduce_sum3A_163 = vector.shape_cast %reduce_sum3A_162 : vector<1xf32> to vector<1x1x1xf32>
    %reduce_sum3A_164 = vector.extract %reduce_sum3A_163[0, 0, 0] : f32 from vector<1x1x1xf32>
    %reduce_sum3A_165 = vector.shape_cast %convert_element_type3A_90 : vector<512x1xf32> to vector<1x512x1xf32>
    %reduce_sum3A_166 = arith.constant dense<0.000000e+00> : vector<1xf32>
    %reduce_sum3A_167 = vector.multi_reduction <add>, %reduce_sum3A_165, %reduce_sum3A_166 [1, 2] : vector<1x512x1xf32> to vector<1xf32>
    %reduce_sum3A_168 = vector.shape_cast %reduce_sum3A_167 : vector<1xf32> to vector<1x1x1xf32>
    %reduce_sum3A_169 = vector.extract %reduce_sum3A_168[0, 0, 0] : f32 from vector<1x1x1xf32>
    %abs3A = math.absf %div3A_158 : vector<512x1xf32>
    %sub3A_170 = arith.constant 1.000000e+00 : f32
    %sub3A_171 = vector.broadcast %sub3A_170 : f32 to vector<512x1xf32>
    %sub3A_172 = arith.subf %sub3A_171, %abs3A : vector<512x1xf32>
    %mul3A_173 = arith.mulf %sub3A_172, %convert_element_type3A_90 : vector<512x1xf32>
    %reduce_sum3A_174 = vector.shape_cast %mul3A_173 : vector<512x1xf32> to vector<1x512x1xf32>
    %reduce_sum3A_175 = arith.constant dense<0.000000e+00> : vector<1xf32>
    %reduce_sum3A_176 = vector.multi_reduction <add>, %reduce_sum3A_174, %reduce_sum3A_175 [1, 2] : vector<1x512x1xf32> to vector<1xf32>
    %reduce_sum3A_177 = vector.shape_cast %reduce_sum3A_176 : vector<1xf32> to vector<1x1x1xf32>
    %reduce_sum3A_178 = vector.extract %reduce_sum3A_177[0, 0, 0] : f32 from vector<1x1x1xf32>
    %eq3A_179 = arith.constant 0 : i32
    %eq3A_180 = arith.cmpi eq, %arg0, %eq3A_179 : i32
    %convert_element_type3A_181 = arith.extui %eq3A_180 : i1 to i32
    %cond3A_182 = arith.constant 0 : i32
    %cond3A_183 = arith.cmpi ne, %convert_element_type3A_181, %cond3A_182 : i32
    scf.if %cond3A_183 {
      %swap3A_231 = arith.constant 0 : index
      %swap3A_232 = memref.load %arg18[%swap3A_231] : memref<8xf32, #tpu.memory_space<smem>>
      memref.store %reduce_sum3A_164, %arg18[%swap3A_231] : memref<8xf32, #tpu.memory_space<smem>>
      %swap3A_233 = arith.constant 1 : index
      %swap3A_234 = memref.load %arg18[%swap3A_233] : memref<8xf32, #tpu.memory_space<smem>>
      memref.store %reduce_sum3A_169, %arg18[%swap3A_233] : memref<8xf32, #tpu.memory_space<smem>>
      %swap3A_235 = arith.constant 2 : index
      %swap3A_236 = memref.load %arg18[%swap3A_235] : memref<8xf32, #tpu.memory_space<smem>>
      memref.store %reduce_sum3A_178, %arg18[%swap3A_235] : memref<8xf32, #tpu.memory_space<smem>>
    } else {
    }
    %gt3A = arith.constant 0 : i32
    %gt3A_184 = arith.cmpi sgt, %arg0, %gt3A : i32
    %convert_element_type3A_185 = arith.extui %gt3A_184 : i1 to i32
    %cond3A_186 = arith.constant 0 : i32
    %cond3A_187 = arith.cmpi ne, %convert_element_type3A_185, %cond3A_186 : i32
    scf.if %cond3A_187 {
      %get3A_231 = arith.constant 0 : index
      %get3A_232 = memref.load %arg18[%get3A_231] : memref<8xf32, #tpu.memory_space<smem>>
      %add3A_233 = arith.addf %get3A_232, %reduce_sum3A_164 : f32
      %swap3A_234 = arith.constant 0 : index
      %swap3A_235 = memref.load %arg18[%swap3A_234] : memref<8xf32, #tpu.memory_space<smem>>
      memref.store %add3A_233, %arg18[%swap3A_234] : memref<8xf32, #tpu.memory_space<smem>>
      %get3A_236 = arith.constant 1 : index
      %get3A_237 = memref.load %arg18[%get3A_236] : memref<8xf32, #tpu.memory_space<smem>>
      %add3A_238 = arith.addf %get3A_237, %reduce_sum3A_169 : f32
      %swap3A_239 = arith.constant 1 : index
      %swap3A_240 = memref.load %arg18[%swap3A_239] : memref<8xf32, #tpu.memory_space<smem>>
      memref.store %add3A_238, %arg18[%swap3A_239] : memref<8xf32, #tpu.memory_space<smem>>
      %get3A_241 = arith.constant 2 : index
      %get3A_242 = memref.load %arg18[%get3A_241] : memref<8xf32, #tpu.memory_space<smem>>
      %add3A_243 = arith.addf %get3A_242, %reduce_sum3A_178 : f32
      %swap3A_244 = arith.constant 2 : index
      %swap3A_245 = memref.load %arg18[%swap3A_244] : memref<8xf32, #tpu.memory_space<smem>>
      memref.store %add3A_243, %arg18[%swap3A_244] : memref<8xf32, #tpu.memory_space<smem>>
    } else {
    }
    %reduce_min3A_188 = arith.constant dense<0x7F800000> : vector<4096xf32>
    %reduce_min3A_189 = vector.multi_reduction <minimumf>, %max3A_114, %reduce_min3A_188 [0] : vector<512x4096xf32> to vector<4096xf32>
    %broadcast_in_dim3A_190 = vector.shape_cast %reduce_min3A_189 : vector<4096xf32> to vector<1x4096xf32>
    %eq3A_191 = arith.constant 0 : i32
    %eq3A_192 = arith.cmpi eq, %arg0, %eq3A_191 : i32
    %get3A_193 = arith.constant 0 : index
    %get3A_194 = arith.constant 0 : index
    %get3A_195 = vector.load %arg15[%get3A_193, %get3A_194] : memref<1x4096xf32, #tpu.memory_space<vmem>>, vector<1x4096xf32>
    %jit3A_196 = arith.constant 3.000000e+38 : f32
    %broadcast_in_dim3A_197 = vector.broadcast %jit3A_196 : f32 to vector<1x4096xf32>
    %select_n3A_198 = arith.select %eq3A_192, %broadcast_in_dim3A_197, %get3A_195 : vector<1x4096xf32>
    %lt3A_199 = arith.cmpf olt, %broadcast_in_dim3A_190, %select_n3A_198 : vector<1x4096xf32>
    %select_n3A_200 = arith.select %lt3A_199, %broadcast_in_dim3A_190, %select_n3A_198 : vector<1x4096xi1>, vector<1x4096xf32>
    %swap3A = arith.constant 0 : index
    %swap3A_201 = arith.constant 0 : index
    %swap3A_202 = vector.load %arg15[%swap3A, %swap3A_201] : memref<1x4096xf32, #tpu.memory_space<vmem>>, vector<1x4096xf32>
    tpu.vector_store %arg15[%swap3A, %swap3A_201], %select_n3A_200 {strides = array<i32>} : memref<1x4096xf32, #tpu.memory_space<vmem>>, vector<1x4096xf32>,
    %eq3A_203 = vector.broadcast %broadcast_in_dim3A_190 : vector<1x4096xf32> to vector<512x4096xf32>
    %eq3A_204 = arith.cmpf oeq, %max3A_114, %eq3A_203 : vector<512x4096xf32>
    %and3A_205 = vector.broadcast %lt3A_199 : vector<1x4096xi1> to vector<512x4096xi1>
    %and3A_206 = arith.andi %eq3A_204, %and3A_205 : vector<512x4096xi1>
    %jit3A_207 = arith.constant 1.000000e+00 : f32
    %jit3A_208 = arith.constant 0.000000e+00 : f32
    %broadcast_in_dim3A_209 = vector.broadcast %jit3A_207 : f32 to vector<512x4096xf32>
    %broadcast_in_dim3A_210 = vector.broadcast %jit3A_208 : f32 to vector<512x4096xf32>
    %select_n3A_211 = arith.select %and3A_206, %broadcast_in_dim3A_209, %broadcast_in_dim3A_210 : vector<512x4096xi1>, vector<512x4096xf32>
    %get3A_212 = arith.constant 0 : index
    %get3A_213 = arith.constant 0 : index
    %get3A_214 = vector.load %arg3[%get3A_212, %get3A_213] : memref<8x512xf32, #tpu.memory_space<vmem>>, vector<8x512xf32>
    %dot_general3A_215 = arith.constant dense<0.000000e+00> : vector<8x4096xf32>
    %dot_general3A_216 = tpu.matmul %get3A_214, %select_n3A_211, %dot_general3A_215 {dimension_numbers = #tpu.dot_dimension_numbers<[1], [0], [0], [1], [0, 0, 1, 1], [], []>, transpose_lhs_hint = false} : vector<8x512xf32>, vector<512x4096xf32>, vector<8x4096xf32> -> vector<8x4096xf32>
    %get3A_217 = arith.constant 0 : index
    %get3A_218 = arith.constant 0 : index
    %get3A_219 = vector.load %arg16[%get3A_217, %get3A_218] : memref<8x4096xf32, #tpu.memory_space<vmem>>, vector<8x4096xf32>
    %broadcast_in_dim3A_220 = vector.shape_cast %lt3A_199 : vector<1x4096xi1> to vector<1x4096xi1>
    %broadcast_in_dim3A_221 = vector.broadcast %broadcast_in_dim3A_220 : vector<1x4096xi1> to vector<8x4096xi1>
    %select_n3A_222 = arith.select %broadcast_in_dim3A_221, %dot_general3A_216, %get3A_219 : vector<8x4096xi1>, vector<8x4096xf32>
    %swap3A_223 = arith.constant 0 : index
    %swap3A_224 = arith.constant 0 : index
    %swap3A_225 = vector.load %arg16[%swap3A_223, %swap3A_224] : memref<8x4096xf32, #tpu.memory_space<vmem>>, vector<8x4096xf32>
    tpu.vector_store %arg16[%swap3A_223, %swap3A_224], %select_n3A_222 {strides = array<i32>} : memref<8x4096xf32, #tpu.memory_space<vmem>>, vector<8x4096xf32>,
    %eq3A_226 = arith.constant 9 : i32
    %eq3A_227 = arith.cmpi eq, %arg0, %eq3A_226 : i32
    %convert_element_type3A_228 = arith.extui %eq3A_227 : i1 to i32
    %cond3A_229 = arith.constant 0 : i32
    %cond3A_230 = arith.cmpi ne, %convert_element_type3A_228, %cond3A_229 : i32
    scf.if %cond3A_230 {
      %get3A_231 = arith.constant 0 : index
      %get3A_232 = arith.constant 0 : index
      %get3A_233 = vector.load %arg15[%get3A_231, %get3A_232] : memref<1x4096xf32, #tpu.memory_space<vmem>>, vector<1x4096xf32>
      %reduce_sum3A_234 = vector.shape_cast %get3A_233 : vector<1x4096xf32> to vector<1x1x4096xf32>
      %reduce_sum3A_235 = arith.constant dense<0.000000e+00> : vector<1xf32>
      %reduce_sum3A_236 = vector.multi_reduction <add>, %reduce_sum3A_234, %reduce_sum3A_235 [1, 2] : vector<1x1x4096xf32> to vector<1xf32>
      %reduce_sum3A_237 = vector.shape_cast %reduce_sum3A_236 : vector<1xf32> to vector<1x1x1xf32>
      %reduce_sum3A_238 = vector.extract %reduce_sum3A_237[0, 0, 0] : f32 from vector<1x1x1xf32>
      %div3A_239 = arith.constant 4.096000e+03 : f32
      %div3A_240 = arith.divf %reduce_sum3A_238, %div3A_239 : f32
      %get3A_241 = arith.constant 0 : index
      %get3A_242 = arith.constant 0 : index
      %get3A_243 = vector.load %arg5[%get3A_241, %get3A_242] : memref<3x4096xf32, #tpu.memory_space<vmem>>, vector<1x4096xf32>
      %get3A_244 = arith.constant 1 : index
      %get3A_245 = arith.constant 0 : index
      %get3A_246 = vector.load %arg5[%get3A_244, %get3A_245] : memref<3x4096xf32, #tpu.memory_space<vmem>>, vector<1x4096xf32>
      %get3A_247 = arith.constant 2 : index
      %get3A_248 = arith.constant 0 : index
      %get3A_249 = vector.load %arg5[%get3A_247, %get3A_248] : memref<3x4096xf32, #tpu.memory_space<vmem>>, vector<1x4096xf32>
      %mul3A_250 = arith.mulf %get3A_243, %get3A_243 : vector<1x4096xf32>
      %mul3A_251 = arith.mulf %get3A_246, %get3A_246 : vector<1x4096xf32>
      %add3A_252 = arith.addf %mul3A_250, %mul3A_251 : vector<1x4096xf32>
      %mul3A_253 = arith.mulf %get3A_249, %get3A_249 : vector<1x4096xf32>
      %add3A_254 = arith.addf %add3A_252, %mul3A_253 : vector<1x4096xf32>
      %get3A_255 = arith.constant 0 : index
      %get3A_256 = arith.constant 0 : index
      %get3A_257 = vector.load %arg16[%get3A_255, %get3A_256] : memref<8x4096xf32, #tpu.memory_space<vmem>>, vector<8x4096xf32>
      %slice3A_258 = vector.extract_strided_slice %get3A_257 {offsets = [0, 0], sizes = [1, 4096], strides = [1, 1]} : vector<8x4096xf32> to vector<1x4096xf32>
      %slice3A_259 = vector.extract_strided_slice %get3A_257 {offsets = [1, 0], sizes = [1, 4096], strides = [1, 1]} : vector<8x4096xf32> to vector<1x4096xf32>
      %slice3A_260 = vector.extract_strided_slice %get3A_257 {offsets = [2, 0], sizes = [1, 4096], strides = [1, 1]} : vector<8x4096xf32> to vector<1x4096xf32>
      %mul3A_261 = arith.mulf %slice3A_258, %slice3A_258 : vector<1x4096xf32>
      %mul3A_262 = arith.mulf %slice3A_259, %slice3A_259 : vector<1x4096xf32>
      %add3A_263 = arith.addf %mul3A_261, %mul3A_262 : vector<1x4096xf32>
      %mul3A_264 = arith.mulf %slice3A_260, %slice3A_260 : vector<1x4096xf32>
      %add3A_265 = arith.addf %add3A_263, %mul3A_264 : vector<1x4096xf32>
      %mul3A_266 = arith.mulf %get3A_243, %slice3A_258 : vector<1x4096xf32>
      %mul3A_267 = arith.mulf %get3A_246, %slice3A_259 : vector<1x4096xf32>
      %add3A_268 = arith.addf %mul3A_266, %mul3A_267 : vector<1x4096xf32>
      %mul3A_269 = arith.mulf %get3A_249, %slice3A_260 : vector<1x4096xf32>
      %add3A_270 = arith.addf %add3A_268, %mul3A_269 : vector<1x4096xf32>
      %sqrt3A_271 = math.sqrt %add3A_254 : vector<1x4096xf32>
      %sqrt3A_272 = math.sqrt %add3A_265 : vector<1x4096xf32>
      %mul3A_273 = arith.mulf %sqrt3A_271, %sqrt3A_272 : vector<1x4096xf32>
      %add3A_274 = arith.constant 9.99999993E-9 : f32
      %add3A_275 = vector.broadcast %add3A_274 : f32 to vector<1x4096xf32>
      %add3A_276 = arith.addf %mul3A_273, %add3A_275 : vector<1x4096xf32>
      %div3A_277 = arith.divf %add3A_270, %add3A_276 : vector<1x4096xf32>
      %abs3A_278 = math.absf %div3A_277 : vector<1x4096xf32>
      %sub3A_279 = arith.constant 1.000000e+00 : f32
      %sub3A_280 = vector.broadcast %sub3A_279 : f32 to vector<1x4096xf32>
      %sub3A_281 = arith.subf %sub3A_280, %abs3A_278 : vector<1x4096xf32>
      %reduce_sum3A_282 = vector.shape_cast %sub3A_281 : vector<1x4096xf32> to vector<1x1x4096xf32>
      %reduce_sum3A_283 = arith.constant dense<0.000000e+00> : vector<1xf32>
      %reduce_sum3A_284 = vector.multi_reduction <add>, %reduce_sum3A_282, %reduce_sum3A_283 [1, 2] : vector<1x1x4096xf32> to vector<1xf32>
      %reduce_sum3A_285 = vector.shape_cast %reduce_sum3A_284 : vector<1xf32> to vector<1x1x1xf32>
      %reduce_sum3A_286 = vector.extract %reduce_sum3A_285[0, 0, 0] : f32 from vector<1x1x1xf32>
      %div3A_287 = arith.constant 4.096000e+03 : f32
      %div3A_288 = arith.divf %reduce_sum3A_286, %div3A_287 : f32
      %get3A_289 = arith.constant 1 : index
      %get3A_290 = memref.load %arg18[%get3A_289] : memref<8xf32, #tpu.memory_space<smem>>
      %max3A_291 = arith.constant 1.000000e+00 : f32
      %max3A_292 = arith.maximumf %get3A_290, %max3A_291 : f32
      %get3A_293 = arith.constant 0 : index
      %get3A_294 = memref.load %arg18[%get3A_293] : memref<8xf32, #tpu.memory_space<smem>>
      %div3A_295 = arith.divf %get3A_294, %max3A_292 : f32
      %add3A_296 = arith.addf %div3A_295, %div3A_240 : f32
      %swap3A_297 = arith.constant 0 : index
      %swap3A_298 = arith.constant 0 : index
      %swap3A_299 = memref.load %arg14[%swap3A_297, %swap3A_298] : memref<1x4xf32, #tpu.memory_space<smem>>
      memref.store %add3A_296, %arg14[%swap3A_297, %swap3A_298] : memref<1x4xf32, #tpu.memory_space<smem>>
      %get3A_300 = arith.constant 2 : index
      %get3A_301 = memref.load %arg18[%get3A_300] : memref<8xf32, #tpu.memory_space<smem>>
      %div3A_302 = arith.divf %get3A_301, %max3A_292 : f32
      %add3A_303 = arith.addf %div3A_302, %div3A_288 : f32
      %swap3A_304 = arith.constant 0 : index
      %swap3A_305 = arith.constant 1 : index
      %swap3A_306 = memref.load %arg14[%swap3A_304, %swap3A_305] : memref<1x4xf32, #tpu.memory_space<smem>>
      memref.store %add3A_303, %arg14[%swap3A_304, %swap3A_305] : memref<1x4xf32, #tpu.memory_space<smem>>
    } else {
    }
    return
  }
  func.func @transform_0(%arg0: i32) -> (i32, i32) {
    %c0_i32 = arith.constant 0 : i32
    %c0_i32_0 = arith.constant 0 : i32
    return %arg0, %c0_i32 : i32, i32
  }
  func.func @transform_1(%arg0: i32) -> (i32, i32) {
    %c0_i32 = arith.constant 0 : i32
    %c0_i32_0 = arith.constant 0 : i32
    return %arg0, %c0_i32 : i32, i32
  }
  func.func @transform_2(%arg0: i32) -> (i32, i32) {
    %c0_i32 = arith.constant 0 : i32
    %c0_i32_0 = arith.constant 0 : i32
    return %c0_i32, %arg0 : i32, i32
  }
  func.func @transform_3(%arg0: i32) -> (i32, i32) {
    %c0_i32 = arith.constant 0 : i32
    %c0_i32_0 = arith.constant 0 : i32
    %c0_i32_1 = arith.constant 0 : i32
    return %c0_i32, %c0_i32_0 : i32, i32
  }
  func.func @transform_4(%arg0: i32) -> (i32, i32) {
    %c0_i32 = arith.constant 0 : i32
    %c0_i32_0 = arith.constant 0 : i32
    %c0_i32_1 = arith.constant 0 : i32
    return %c0_i32, %c0_i32_0 : i32, i32
  }
  func.func @transform_5(%arg0: i32) -> (i32, i32) {
    %c0_i32 = arith.constant 0 : i32
    %c0_i32_0 = arith.constant 0 : i32
    %c0_i32_1 = arith.constant 0 : i32
    return %c0_i32, %c0_i32_0 : i32, i32
  }
  func.func @transform_6(%arg0: i32) -> (i32, i32) {
    %c0_i32 = arith.constant 0 : i32
    %c0_i32_0 = arith.constant 0 : i32
    %c0_i32_1 = arith.constant 0 : i32
    return %c0_i32, %c0_i32_0 : i32, i32
  }
  func.func @transform_7(%arg0: i32) -> (i32, i32) {
    %c0_i32 = arith.constant 0 : i32
    %c0_i32_0 = arith.constant 0 : i32
    %c0_i32_1 = arith.constant 0 : i32
    return %c0_i32, %c0_i32_0 : i32, i32
  }
  func.func @transform_8(%arg0: i32) -> (i32, i32) {
    %c0_i32 = arith.constant 0 : i32
    %c0_i32_0 = arith.constant 0 : i32
    %c0_i32_1 = arith.constant 0 : i32
    return %c0_i32, %c0_i32_0 : i32, i32
  }
  func.func @transform_9(%arg0: i32) -> (i32, i32) {
    %c0_i32 = arith.constant 0 : i32
    %c0_i32_0 = arith.constant 0 : i32
    %c0_i32_1 = arith.constant 0 : i32
    return %c0_i32, %c0_i32_0 : i32, i32
  }
  func.func @transform_10(%arg0: i32) -> (i32, i32) {
    %c0_i32 = arith.constant 0 : i32
    %c0_i32_0 = arith.constant 0 : i32
    %c0_i32_1 = arith.constant 0 : i32
    return %c0_i32, %c0_i32_0 : i32, i32
  }
  func.func @transform_11(%arg0: i32) -> (i32, i32) {
    %c0_i32 = arith.constant 0 : i32
    %c0_i32_0 = arith.constant 0 : i32
    %c0_i32_1 = arith.constant 0 : i32
    return %c0_i32, %c0_i32_0 : i32, i32
  }
  func.func @transform_12(%arg0: i32) -> (i32, i32) {
    %c0_i32 = arith.constant 0 : i32
    %c0_i32_0 = arith.constant 0 : i32
    %c0_i32_1 = arith.constant 0 : i32
    return %c0_i32, %c0_i32_0 : i32, i32
  }
  func.func @transform_13(%arg0: i32) -> (i32, i32) {
    %c0_i32 = arith.constant 0 : i32
    %c0_i32_0 = arith.constant 0 : i32
    %c0_i32_1 = arith.constant 0 : i32
    return %c0_i32, %c0_i32_0 : i32, i32
  }
}

</mosaic_0001>

<sc_bundles>
// kernel: kernel.4.cloned.1.call-start
scs
__scs_entry_jumppad:
0x0: {  	(pc) =	sbr.rel $0x88, $3  }
0x1: {  	(tag) =	ssettag $0x0;
	lr =	simm.s32 $0x1  }
0x2: {  	[smem:$0x3F9A] =	sst lr;
	_ =	strace $0xD0000000  }
0x3: {  	_ = 	snop  }
0x4: {  	_ = 	snop  }
0x5: {  	_ = 	snop  }
0x6: {  	_ = 	snop  }
0x7: {  	_ = 	snop  }
__scs_overlays_trampoline_lowered:
0x8: {  	[smem:$0x3FA9] =	sst s0  }
0x9: {  	[smem:$0x3FAA] =	sst s1  }
0xa: {  	[smem:$0x3FAB] =	sst s2  }
0xb: {  	[smem:$0x3FAC] =	sst s3  }
0xc: {  	[smem:$0x3FAD] =	sst s4  }
0xd: {  	[smem:$0x3FAE] =	sst s5  }
0xe: {  	[smem:$0x3FAF] =	sst s6  }
0xf: {  	[smem:$0x3FB0] =	sst s7  }
0x10: {  	[smem:$0x3FB1] =	sst s8  }
0x11: {  	[smem:$0x3FB2] =	sst s9;
	s0 =	simm.s32 @!p0 $0x0  }
0x12: {  	s1 =	sld [smem:$0x3F98];
	s0 =	simm.s32 @p0 $0x1  }
0x13: {  	[smem:$0x3FB3] =	sst s0;
	s0 =	simm.s32 @!p1 $0x0  }
0x14: {  	s2 =	sld [smem:$0x3F97];
	s0 =	simm.s32 @p1 $0x1  }
0x15: {  	[smem:$0x3FB4] =	sst s0;
	s0 =	simm.s32 @!p2 $0x0  }
0x16: {  	s3 =	sld [smem:$0x3FDB];
	s0 =	simm.s32 @p2 $0x1  }
0x17: {  	s4 =	simm.s32 $0x1BF5;
	[smem:$0x3FB6] =	sst s0  }
0x18: {  	s0 =	sld [smem:$0x3F99];
	_ =	swait.ge [sflag:s4], $0x0  }
0x19: {  	s7 =	sld [smem:$0x3F9A]  }
0x1a: {  	s8 =	sadd.s32 $0xFFFFE003, lr  }
0x1b: {  	s9 =	sadd.s32 $0xFFFFFEF7, lr;
	s5 =	simm.s32 $0xFFFFFFFF;
	p2 =	slt.u32 s8, $0xFFFFF086  }
0x1c: {  	p1 =	slt.u32 s9, $0xF7A;
	s5 =	simm.s32 @!p2 $0x0  }
0x1d: {  	s5 =	simm.s32 @p1 $0x1;
	p0 =	seq.s32 s7, s2  }
0x1e: {  	s7 =	smul.u32 @!p0 $0xF7A, s2;
	p2 =	seq.s32 @!p0 s5, $0x0  }
0x1f: {  	s9 =	smul.u32 $0xF7A, s1;
	s8 =	simm.s32 @!p0 $0x1BF5;
	p2 =	por !p2, p0  }
0x20: {  	[sflag:s8] =	ssyncset.s32 @!p0 $0xFFFFF086;
	s6 =	sadd.s32 @!p0 s3, s7;
	s7 =	simm.s32 @!p0 $0x108  }
0x21: {  	s3 =	sadd.s32 s3, s9;
	s6 =	sadd.s32 @!p0 $0x88, s6;
	s7 =	simm.s32 @p2 $0x1082  }
0x22: {  	[simem:s7], [sflag:s8] =	dma.local @!p0 [hbm:s6], $0xF7A  }
0x23: {  	s9 =	sor.u32 $0xD0000000, s2;
	s6 =	simm.s32 $0x108;
	_ =	swait.ge @!p0 [sflag:s8], $0x0  }
0x24: {  	s3 =	sadd.s32 $0x88, s3;
	s6 =	simm.s32 @!p1 $0x1082;
	[sflag:s4] =	ssyncset.s32 $0xFFFFF086  }
0x25: {  	[simem:s6], [sflag:s4] =	dma.local [hbm:s3], $0xF7A  }
0x26: {  	[smem:$0x3F9A] =	sst s1;
	(tag) =	ssettag s2;
	_ =	strace s9  }
0x27: {  	s1 =	sld [smem:$0x3FAA]  }
0x28: {  	s2 =	sld [smem:$0x3FAB]  }
0x29: {  	s4 =	sld [smem:$0x3FAD]  }
0x2a: {  	p0 =	seq.s32 s5, $0x0;
	s5 =	sld [smem:$0x3FAE]  }
0x2b: {  	s6 =	sld [smem:$0x3FAF]  }
0x2c: {  	s7 =	sld [smem:$0x3FB0]  }
0x2d: {  	s3 =	simm.s32 $0x108;
	s8 =	sld [smem:$0x3FB1]  }
0x2e: {  	s3 =	simm.s32 @!p0 $0x1082;
	s9 =	sld [smem:$0x3FB2]  }
0x2f: {  	lr =	sadd.s32 s0, s3;
	s0 =	sld [smem:$0x3FA9]  }
0x30: {  	s3 =	sld [smem:$0x3FAC]  }
0x31: {  	[smem:$0x3FB5] =	sst s10  }
0x32: {  	s10 =	sld [smem:$0x3FB3];
	_ =	sdelay $0x3  }
0x33: {  	p0 =	seq.s32 s10, $0x1;
	s10 =	sld [smem:$0x3FB5];
	_ =	sdelay $0x3  }
0x34: {  	[smem:$0x3FB5] =	sst s10  }
0x35: {  	s10 =	sld [smem:$0x3FB4];
	_ =	sdelay $0x3  }
0x36: {  	p1 =	seq.s32 s10, $0x1;
	s10 =	sld [smem:$0x3FB5];
	_ =	sdelay $0x3  }
0x37: {  	[smem:$0x3FB5] =	sst s10  }
0x38: {  	s10 =	sld [smem:$0x3FB6]  }
0x39: {  	_ = 	snop;
	(pc) =	sbr.ind lr, $3  }
0x3a: {  	_ = 	snop  }
0x3b: {  	_ = 	snop  }
0x3c: {  	p2 =	seq.s32 s10, $0x1;
	s10 =	sld [smem:$0x3FB5]  }
0x3d: {  	_ =	shalt  }
0x3e: {  	_ =	shalt  }
0x3f: {  	_ =	shalt  }
0x40: {  	_ =	shalt  }
0x41: {  	_ =	shalt  }
0x42: {  	_ =	shalt  }
0x43: {  	_ =	shalt  }
0x44: {  	_ =	shalt  }
0x45: {  	_ =	shalt  }
0x46: {  	_ =	shalt  }
0x47: {  	_ =	shalt  }
0x48: {  	_ =	shalt  }
0x49: {  	_ =	shalt  }
0x4a: {  	_ =	shalt  }
0x4b: {  	_ =	shalt  }
0x4c: {  	_ =	shalt  }
0x4d: {  	_ =	shalt  }
0x4e: {  	_ =	shalt  }
0x4f: {  	_ =	shalt  }
0x50: {  	_ =	shalt  }
0x51: {  	_ =	shalt  }
0x52: {  	_ =	shalt  }
0x53: {  	_ =	shalt  }
0x54: {  	_ =	shalt  }
0x55: {  	_ =	shalt  }
0x56: {  	_ =	shalt  }
0x57: {  	_ =	shalt  }
0x58: {  	_ =	shalt  }
0x59: {  	_ =	shalt  }
0x5a: {  	_ =	shalt  }
0x5b: {  	_ =	shalt  }
0x5c: {  	_ =	shalt  }
0x5d: {  	_ =	shalt  }
0x5e: {  	_ =	shalt  }
0x5f: {  	_ =	shalt  }
0x60: {  	_ =	shalt  }
0x61: {  	_ =	shalt  }
0x62: {  	_ =	shalt  }
0x63: {  	_ =	shalt  }
0x64: {  	_ =	shalt  }
0x65: {  	_ =	shalt  }
0x66: {  	_ =	shalt  }
0x67: {  	_ =	shalt  }
0x68: {  	_ =	shalt  }
0x69: {  	_ =	shalt  }
0x6a: {  	_ =	shalt  }
0x6b: {  	_ =	shalt  }
0x6c: {  	_ =	shalt  }
0x6d: {  	_ =	shalt  }
0x6e: {  	_ =	shalt  }
0x6f: {  	_ =	shalt  }
0x70: {  	_ =	shalt  }
0x71: {  	_ =	shalt  }
0x72: {  	_ =	shalt  }
0x73: {  	_ =	shalt  }
0x74: {  	_ =	shalt  }
0x75: {  	_ =	shalt  }
0x76: {  	_ =	shalt  }
0x77: {  	_ =	shalt  }
0x78: {  	_ =	shalt  }
0x79: {  	_ =	shalt  }
0x7a: {  	_ =	shalt  }
0x7b: {  	_ =	shalt  }
0x7c: {  	_ =	shalt  }
0x7d: {  	_ =	shalt  }
0x7e: {  	_ =	shalt  }
0x7f: {  	_ =	shalt  }
0x80: {  	_ =	shalt  }
0x81: {  	_ =	shalt  }
0x82: {  	_ =	shalt  }
0x83: {  	_ =	shalt  }
0x84: {  	_ =	shalt  }
0x85: {  	_ =	shalt  }
0x86: {  	_ =	shalt  }
0x87: {  	_ =	shalt  }
.Lfunc_end0:
.L_simem_size_0:
called_computation_lowered:
.L_overlay_start_0:
0x88: {  	s2 =	sld [smem:$0x3FD9]  }
0x89: {  	s3 =	sld [smem:$0x3FFE];
	_ =	sdelay $0x1  }
0x8a: {  	s1 =	srdreg.scid  }
0x8b: {  	s0 =	sand.u32 $0x1, s1  }
0x8c: {  	s17 =	sshll.u32 s0, $0xA;
	s2 =	sadd.s32 s3, s2  }
0x8d: {  	s2 =	sadd.s32 s2, s17  }
0x8e: {  	[smem:$0x3FC1] =	sst s2  }
0x8f: {  	_ = 	snop  }
0x90: {  	s2 =	sld [smem:$0x3FD0];
	(tm) =	ssettm $0x1  }
0x91: {  	s18 =	sld [smem:$0x3FFB];
	_ =	sdelay $0x3  }
0x92: {  	_ =	strace s18  }
0x93: {  	s3 =	sld [smem:$0x3FFC];
	_ =	sdelay $0x3  }
0x94: {  	_ =	strace s3  }
0x95: {  	s3 =	sld [smem:$0x3FFD];
	_ =	sdelay $0x3  }
0x96: {  	_ =	strace s3  }
0x97: {  	_ =	strace $0x8FFFFFFF  }
0x98: {  	s19 =	sld [smem:$0x3FDB];
	_ =	sdelay $0x1  }
0x99: {  	s4 =	simm.s32 $_scs_section_size  }
0x9a: {  	s5 =	simm.s32 $_size__tile_overlayer_lowered;
	s6 =	simm.s32 $_tile_overlayer_lowered  }
0x9b: {  	s22 =	simm.s32 $0x1BFF;
	s21 =	sshll.u32 s6, $0x1;
	s3 =	sadd.s32 s4, s19  }
0x9c: {  	s7 =	simm.s32 $0x0;
	s20 =	sshll.u32 s5, $0x1;
	s5 =	sadd.s32 s21, s3  }
0x9d: {  	[timem:s7], [sflag:s22] =	dma.local [hbm:s5], s20  }
0x9e: {  	_ =	swait.ge [sflag:s22], s20  }
0x9f: {  	s4 =	ssub.s32 $0x0, s20;
	[sflag:s22] =	ssyncset.done $0x0  }
0xa0: {  	[sflag:s22] =	ssyncadd.s32 s4;
	_ =	sdelay $0x1  }
0xa1: {  	s23 =	simm.s32 $0x1B8B  }
0xa2: {  	_ =	swait.ge [sflag:s23], $0x1  }
0xa3: {  	[sflag:s23] =	ssyncset.done $0x0  }
0xa4: {  	s25 =	simm.s32 $0x1B8E;
	s24 =	sld [smem:$0x3FFE];
	[sflag:s23] =	ssyncadd.s32 $0xFFFFFFFF  }
0xa5: {  	s26 =	simm.s32 $execute0_lowered;
	[smem:$0x3FD2] =	sst s25  }
0xa6: {  	s5 =	sshll.u32 s26, $0x1;
	_ =	strace $0x80000046;
	[dreg:$0x1] =	wrdreg $0xFFFFFFFF  }
0xa7: {  	s28 =	simm.s32 $_size_execute0_lowered;
	s3 =	sadd.s32 s3, s5;
	[dreg:$0x0] =	wrdreg $0x0  }
0xa8: {  	s5 =	sshll.u32 s28, $0x1;
	[dreg:$0x2] =	wrdreg s3  }
0xa9: {  	[dreg:$0x3] =	wrdreg s5  }
0xaa: {  	[dreg:$0x4] =	wrdreg $0xC0  }
0xab: {  	_ =	task [dreg:s7], $0x5FFFF  }
0xac: {  	[dreg:$0x1] =	wrdreg $0xFFFFFFFF  }
0xad: {  	[dreg:$0x0] =	wrdreg $0x60  }
0xae: {  	[dreg:$0x2] =	wrdreg s24  }
0xaf: {  	[dreg:$0x3] =	wrdreg s2  }
0xb0: {  	[dreg:$0x4] =	wrdreg $0x9  }
0xb1: {  	_ =	task.clear_ibuf [dreg:s7], $0x5FFFF;
	_ =	strace $0x90000046  }
0xb2: {  	s29 =	simm.s32 $0x9;
	_ =	strace $0x80000048  }
0xb3: {  	_ =	swait.ge [sflag:s29], $0x1  }
0xb4: {  	[sflag:s29] =	ssyncadd.s32 $0xFFFFFFFF  }
0xb5: {  	_ =	strace $0x90000048  }
0xb6: {  	_ =	sfence  }
0xb7: {  	s30 =	sld [smem:$0x0];
	_ =	sdelay $0x2  }
0xb8: {  	s31 =	sshll.u32 s1, $0xD;
	s1 =	sshrl.u32 s1, $0x2  }
0xb9: {  	s3 =	sand.u32 $0x4000, s31;
	s1 =	sadd.s32 s1, s30  }
0xba: {  	s0 =	sor.u32 s3, s0;
	s1 =	sshll.u32 s1, $0x11  }
0xbb: {  	s0 =	sor.u32 s1, s0  }
0xbc: {  	s0 =	sadd.s32 $0x8F2B, s0  }
0xbd: {  	[sflag:s0] =	ssyncadd.remote.s32 $0x1  }
0xbe: {  	_ =	sfence.sel $0xFFFF  }
0xbf: {  	[dreg:$0x0] =	wrdreg $0xFFFFFFFF;
	(pc) =	sbr.abs _section_cstart, $3  }
0xc0: {  	[dreg:$0x1] =	wrdreg $0xFFFFFFFF  }
0xc1: {  	_ =	task.clear_ibuf [dreg:s7], $0x2FFFF;
	_ =	strace $0x9FFFFFFF  }
0xc2: {  	(tm) =	ssettm $0x7FFFFFFF  }
0xc3: {  	_ =	shalt  }
tec
execute0_lowered:
.L_overlay_start_1:
0x0: {  	(tag) =	ssettag $0x1  }
0x1: {  	s4 =	rddreg [dreg:$0x0];
	s1 =	srdreg.scid  }
0x2: {  	s0 =	stileid.u32;
	s2 =	rddreg [dreg:$0x1];
	s3 =	simm.s32 $0x0  }
0x3: {  	s12 =	simm.s32 $0x1;
	s13 =	simm.s32 $0x680;
	s14 =	simm.s32 $0xD00  }
0x4: {  	s15 =	simm.s32 $0x1380;
	s16 =	simm.s32 $0x1A00;
	s17 =	simm.s32 $0x2080  }
0x5: {  	s18 =	simm.s32 $0x2700;
	s19 =	simm.s32 $0x2780;
	s20 =	simm.s32 $0x0  }
0x6: {  	s5 =	sand.u32 $0x1, s1;
	s6 =	sshll.u32 s0, $0x1;
	s1 =	rddreg [dreg:$0x2]  }
0x7: {  	[smem:$0x7FF] =	sst s3;
	s6 =	sor.u32 s5, s6;
	s5 =	ssub.s32 $0x2, s5  }
0x8: {  	s7 =	smul.u32 $0xC4, s6;
	s6 =	sshll.u32 s6, $0x1;
	s31 =	sshrl.u32 s5, $0x1  }
0x9: {  	_ =	strace $0x80000047;
	s10 =	sadd.s32 s6, s4;
	s11 =	ssub.s32 s5, s31  }
0xa: {  	s9 =	sadd.s32 s7, s4;
	s10 =	sadd.s32 $0xB600, s10;
	s11 =	smax.u32 s11, $0x1  }
0xb: {  	s4 =	sadd.s32 $0x3400, s9;
	s5 =	sadd.s32 $0x4E00, s9;
	s6 =	sadd.s32 $0x1A00, s9  }
0xc: {  	s7 =	sadd.s32 $0x8200, s9;
	s8 =	sadd.s32 $0x9C00, s9;
	s9 =	sadd.s32 $0x6800, s9  }
.LBB2_1:
0xd: {  	[tilespmem:s3], [sflag:$0x1] =	stream.linear.gather [hbm4b:s4+s3], $0x620, $0x38;
	[tilespmem:$0x2800] =	vst v63  }
0xe: {  	_ =	swait.ge [sflag:s12], $0x620  }
0xf: {  	[sflag:s12] =	ssyncset.done $0x0  }
0x10: {  	[sflag:s12] =	ssyncadd.s32 $0xFFFFF9E0  }
0x11: {  	[tilespmem:s13], [sflag:$0x1] =	stream.linear.gather [hbm4b:s5+s3], $0x620, $0x38;
	[tilespmem:$0x2800] =	vst v63  }
0x12: {  	_ =	swait.ge [sflag:s12], $0x620  }
0x13: {  	[sflag:s12] =	ssyncset.done $0x0  }
0x14: {  	[sflag:s12] =	ssyncadd.s32 $0xFFFFF9E0  }
0x15: {  	[tilespmem:s14], [sflag:$0x1] =	stream.linear.gather [hbm4b:s6+s3], $0x620, $0x38;
	[tilespmem:$0x2800] =	vst v63  }
0x16: {  	_ =	swait.ge [sflag:s12], $0x620  }
0x17: {  	[sflag:s12] =	ssyncset.done $0x0  }
0x18: {  	[sflag:s12] =	ssyncadd.s32 $0xFFFFF9E0  }
0x19: {  	[tilespmem:s15], [sflag:$0x1] =	stream.linear.gather [hbm4b:s7+s3], $0x620, $0x38;
	[tilespmem:$0x2800] =	vst v63  }
0x1a: {  	_ =	swait.ge [sflag:s12], $0x620  }
0x1b: {  	[sflag:s12] =	ssyncset.done $0x0  }
0x1c: {  	[sflag:s12] =	ssyncadd.s32 $0xFFFFF9E0  }
0x1d: {  	[tilespmem:s16], [sflag:$0x1] =	stream.linear.gather [hbm4b:s8+s3], $0x620, $0x38;
	[tilespmem:$0x2800] =	vst v63  }
0x1e: {  	_ =	swait.ge [sflag:s12], $0x620  }
0x1f: {  	[sflag:s12] =	ssyncset.done $0x0  }
0x20: {  	[sflag:s12] =	ssyncadd.s32 $0xFFFFF9E0  }
0x21: {  	[tilespmem:s17], [sflag:$0x1] =	stream.linear.gather [hbm4b:s9+s3], $0x620, $0x38;
	[tilespmem:$0x2800] =	vst v63  }
0x22: {  	_ =	swait.ge [sflag:s12], $0x620  }
0x23: {  	[sflag:s12] =	ssyncset.done $0x0  }
0x24: {  	[sflag:s12] =	ssyncadd.s32 $0xFFFFF9E0  }
0x25: {  	[tilespmem:s18], [sflag:$0x1] =	stream.linear.gather [hbm4b:s2+s3], $0x80, $0x38;
	[tilespmem:$0x2800] =	vst v63  }
0x26: {  	_ =	swait.ge [sflag:s12], $0x80  }
0x27: {  	[sflag:s12] =	ssyncset.done $0x0  }
0x28: {  	[sflag:s12] =	ssyncadd.s32 $0xFFFFFF80  }
0x29: {  	v2 =	vld [tilespmem:$0x2700]  }
0x2a: {  	v1 =	vld [tilespmem:$0x2710]  }
0x2b: {  	s21 =	simm.s32 $0x0;
	v0 =	vld [tilespmem:$0x2720]  }
0x2c: {  	v3 =	vld [tilespmem:s21+$0x0]  }
0x2d: {  	v4 =	vld [tilespmem:s21+$0x1380]  }
0x2e: {  	v5 =	vld [tilespmem:s21+$0x680]  }
0x2f: {  	v6 =	vld [tilespmem:s21+$0x1A00]  }
0x30: {  	v7 =	vld [tilespmem:s21+$0xD00]  }
0x31: {  	s22 =	simm.s32 $0x10;
	v8 =	vld [tilespmem:s21+$0x2080]  }
0x32: {  	v9 =	vld [tilespmem:s22+$0x0]  }
0x33: {  	v10 =	vld [tilespmem:s22+$0x1380]  }
0x34: {  	v11 =	vld [tilespmem:s22+$0x680]  }
0x35: {  	v12 =	vld [tilespmem:s22+$0x1A00];
	v3 =	vsub.f32 v3, v4;
	v4 =	vsub.f32 v5, v6  }
0x36: {  	v13 =	vld [tilespmem:s22+$0xD00]  }
0x37: {  	v14 =	vld [tilespmem:s22+$0x2080];
	v5 =	vsub.f32 v7, v8;
	v3 =	vmul.f32 v3, v2;
	v6 =	vmul.f32 v4, v1  }
0x38: {  	s21 =	simm.s32 $0x20  }
0x39: {  	v4 =	vld [tilespmem:s21+$0x0];
	v7 =	vmul.f32 v5, v0;
	v3 =	vadd.f32 v6, v3  }
0x3a: {  	v9 =	vsub.f32 v9, v10;
	v8 =	vld [tilespmem:s21+$0x1A00]  }
0x3b: {  	v10 =	vsub.f32 v11, v12;
	v5 =	vld [tilespmem:s21+$0x1380];
	v15 =	vadd.f32 v7, v3  }
0x3c: {  	v11 =	vsub.f32 v13, v14;
	v9 =	vmul.f32 v9, v2;
	v6 =	vld [tilespmem:s21+$0x680]  }
0x3d: {  	s22 =	simm.s32 $0xC0;
	v12 =	vmul.f32 v10, v1;
	v3 =	vimm.f32 $0.0e+00;
	v7 =	vld [tilespmem:s21+$0xD00];
	v10 =	vmul.f32 v15, v15  }
.LBB2_2:
0x3e: {  	v13 =	vld [tilespmem:s21+$0x2080];
	s21 =	sshra.s32 s22, $0x2;
	v14 =	vmov v4;
	p0 =	sne.s32 s22, $0x1840  }
.Ltmp0:
0x3f: {  	v4 =	vld [tilespmem:s21+$0x0];
	v9 =	vadd.f32 v12, v9;
	v11 =	vmul.f32 v11, v0;
	v3 =	vadd.f32 v10, v3;
	(pc) =	sbr.rel @p0 .LBB2_2-.Ltmp0, $4  }
0x40: {  	v10 =	vsub.f32 v14, v5;
	v5 =	vld [tilespmem:s21+$0x1380]  }
0x41: {  	s22 =	sadd.s32 $0x40, s22;
	v12 =	vsub.f32 v6, v8;
	v6 =	vld [tilespmem:s21+$0x680];
	v14 =	vadd.f32 v11, v9  }
0x42: {  	v9 =	vmul.f32 v10, v2;
	v8 =	vld [tilespmem:s21+$0x1A00]  }
0x43: {  	v11 =	vsub.f32 v7, v13;
	v7 =	vld [tilespmem:s21+$0xD00];
	v12 =	vmul.f32 v12, v1;
	v10 =	vmul.f32 v14, v14  }
0x44: {  	v13 =	vld [tilespmem:s21+$0x2080];
	_ =	sdelay $0x2  }
0x45: {  	v4 =	vsub.f32 v4, v5;
	v55 =	vsub.f32 v6, v8  }
0x46: {  	v56 =	vadd.f32 v12, v9;
	v57 =	vmul.f32 v11, v0  }
0x47: {  	v2 =	vmul.f32 v4, v2;
	v58 =	vsub.f32 v7, v13;
	v1 =	vmul.f32 v55, v1;
	_ =	sdelay $0x1  }
0x48: {  	v59 =	vadd.f32 v57, v56;
	v1 =	vadd.f32 v1, v2;
	v60 =	vmul.f32 v58, v0;
	_ =	sdelay $0x1  }
0x49: {  	v61 =	vadd.f32 v10, v3;
	v62 =	vmul.f32 v59, v59;
	v0 =	vadd.f32 v60, v1;
	_ =	sdelay $0x1  }
0x4a: {  	v63 =	vadd.f32 v62, v61;
	v0 =	vmul.f32 v0, v0;
	_ =	sdelay $0x1  }
0x4b: {  	s20 =	sadd.s32 $0x1, s20;
	v0 =	vadd.f32 v0, v63  }
0x4c: {  	p0 =	sne.s32 s20, s11  }
.Ltmp1:
0x4d: {  	[tilespmem:$0x2780] =	vst v0;
	(pc) =	sbr.rel @p0 .LBB2_1-.Ltmp1, $4  }
0x4e: {  	[hbm4b:s10+s3] =	stream.linear.scatter [tilespmem:s19], [sflag:$0x1], $0x10, $0x38;
	[tilespmem:$0x2800] =	vst v63  }
0x4f: {  	_ =	swait.ge [sflag:s12], $0x10  }
0x50: {  	[sflag:s12] =	ssyncset.done $0x0  }
0x51: {  	[sflag:s12] =	ssyncadd.s32 $0xFFFFFFF0  }
0x52: {  	_ =	sfence.sel $0x180000  }
0x53: {  	[bflag:$0x0] =	sbarrier.arrive $0xFFFF  }
0x54: {  	p0 =	sne.s32 s0, $0x0;
	_ =	strace $0x90000047  }
0x55: {  	s0 =	sadd.s32 @!p0 $0x100000, s1;
	[bflag:$0x2] =	sbarrier.arrive $0xFFFF  }
0x56: {  	[sflag:s0] =	ssyncadd.tile.s32 @!p0 $0x1;
	_ =	shalt  }
.Lfunc_end2:
_tile_overlayer_lowered:
.L_overlay_start_2:
0x57: {  	(tag) =	ssettag $0x2  }
0x58: {  	s0 =	rddreg [dreg:$0x0];
	s2 =	stileid.u32  }
0x59: {  	s1 =	rddreg [dreg:$0x1];
	p0 =	sne.s32 s2, $0x0  }
0x5a: {  	s3 =	rddreg [dreg:$0x2];
	[bflag:$0x3] =	sbarrier.arrive $0xFFFF;
	s2 =	simm.s32 @!p0 $0x1C01  }
0x5b: {  	[timem:s3], [sflag:s2] =	dma.local @!p0 [hbm:s0], s1  }
0x5c: {  	s0 =	simm.s32 @!p0 $0x1  }
0x5d: {  	_ =	swait.ge @!p0 [sflag:s0], s1  }
0x5e: {  	s1 =	ssub.s32 @!p0 $0x0, s1;
	[sflag:s0] =	ssyncset.done @!p0 $0x0  }
0x5f: {  	[sflag:s0] =	ssyncadd.s32 @!p0 s1  }
0x60: {  	[bflag:$0x3] =	sbarrier.arrive $0xFFFF  }
0x61: {  	_ =	shalt  }

</sc_bundles>
